<compile_context>
chip_gen: v7x
topology: tpu7x:2x2x1
jax: 0.10.2.dev20260603
libtpu: 0.0.44.dev20260713+nightly
codegen_flags: <defaults>
</compile_context>

<pallas_src>
import dataclasses
import functools

import jax
import jax.numpy as jnp
from jax import lax
from jax.experimental import pallas as pl
from jax.experimental.pallas import tpu as pltpu
from jax.experimental.pallas import tpu_sc as plsc

NUM_CLASSES = 1000
N = 16384
M = 26
NW = 32
IPW = N // NW
IC = 256
WPR = NUM_CLASSES // 4


def kernel(index):
    idx_t = index.T
    mesh = plsc.VectorSubcoreMesh(core_axis_name="c", subcore_axis_name="s")
    cp = pltpu.CompilerParams()
    if "needs_layout_passes" in pltpu.CompilerParams.__dataclass_fields__:
        cp = dataclasses.replace(cp, needs_layout_passes=False)

    @functools.partial(
        pl.kernel,
        mesh=mesh,
        compiler_params=cp,
        out_type=jax.ShapeDtypeStruct((M, WPR, N), jnp.int32),
        scratch_types=[
            pltpu.VMEM((WPR, IC), jnp.int32),
            pltpu.VMEM((IC,), jnp.int32),
            pltpu.SemaphoreType.DMA,
        ],
    )
    def sc_kernel(idx_hbm, out_hbm, buf, idxv, sem):
        wid = lax.axis_index("s") * 2 + lax.axis_index("c")
        zeros = jnp.zeros((16,), jnp.int32)
        lanes = lax.iota(jnp.int32, 16)

        @pl.loop(0, WPR)
        def _(r):
            @pl.loop(0, IC, step=16)
            def _(k):
                buf[r, pl.ds(k, 16)] = zeros

        @pl.loop(0, M * (IPW // IC))
        def _(t):
            j = t // (IPW // IC)
            ic = t % (IPW // IC)
            i_abs = wid * IPW + ic * IC
            pltpu.async_copy(idx_hbm.at[j, pl.ds(i_abs, IC)], idxv, sem).wait()
            for g in range(IC // 16):
                iv = idxv[pl.ds(16 * g, 16)]
                w = iv >> 2
                val = jnp.left_shift(jnp.int32(1), 8 * (iv & 3))
                plsc.store_scatter(buf, [w, lanes + 16 * g], val)
            pltpu.async_copy(buf, out_hbm.at[j, :, pl.ds(i_abs, IC)], sem).wait()
            for g in range(IC // 16):
                iv = idxv[pl.ds(16 * g, 16)]
                plsc.store_scatter(buf, [iv >> 2, lanes + 16 * g], zeros)

    words = sc_kernel(idx_t)
    byte_consts = jnp.left_shift(
        jnp.int32(1), 8 * jnp.arange(4, dtype=jnp.int32)
    ).reshape(1, 1, 4, 1)
    oh_t = (words[:, :, None, :] == byte_consts).reshape(M, NUM_CLASSES, N)
    return oh_t.transpose(2, 0, 1)

# --- scband reference (transcript-rebuilt; emitter-appended) ---
"""Pipeline reference for scband-index-to-onehot-6270652253012 (READ-ONLY COPY).

The authoritative reference and input builder live on the scoring server;
editing this copy changes nothing except your own understanding.
"""

import jax, jax.numpy as jnp
import numpy as np

NUM_CLASSES = 1000

def setup_inputs(seed: int = 0) -> dict:
    key = jax.random.key(seed)
    index = jax.random.randint(key, (16384, 26), 0, NUM_CLASSES, dtype=jnp.int64 if jax.config.read('jax_enable_x64') else jnp.int32).astype(jnp.int32)
    return {"index": index}

def reference(index) -> jnp.ndarray:
    # index_to_onehot(index, num_classes, padding_idx=None, dtype=bool)
    # onehot[..., c] = (index[...] == c); no padding_idx handling since padding_idx=None.
    classes = jnp.arange(NUM_CLASSES, dtype=index.dtype)
    onehot = (index[..., None] == classes)  # bool one-hot, shape [16384, 26, 1000]
    return onehot

if __name__ == "__main__":
    import jax
    _d = setup_inputs()
    print(jax.jit(kernel)(*tuple(_d.values())))

</pallas_src>

<mosaic_0001>
#map = affine_map<(d0, d1) -> (0, 0)>
#map1 = affine_map<(d0, d1) -> (0, 0, 0)>
module attributes {stable_mosaic.version = 14 : i64} {
  func.func @sc_kernel(%arg0: i32, %arg1: i32, %arg2: memref<26x16384xi32, #tpu.memory_space<hbm>>, %arg3: memref<26x250x16384xi32, #tpu.memory_space<hbm>>, %arg4: memref<250x256xi32, #tpu.memory_space<vmem>>, %arg5: memref<256xi32, #tpu.memory_space<vmem>>, %arg6: memref<!tpu.dma_semaphore, #tpu.memory_space<semaphore_mem>>) attributes {dimension_semantics = [#tpu.dimension_semantics<core_parallel>, #tpu.dimension_semantics<subcore_parallel>], iteration_bounds = array<i64: 2, 16>, scalar_prefetch = 0 : i64, scratch_operands = 3 : i64, tpu.core_type = #tpu.core_type<sc_vector_subcore>, window_params = [{transform_indices = #map}, {transform_indices = #map1}]} {
    %mul3A = arith.constant 2 : i32
    %mul3A_0 = arith.muli %arg1, %mul3A : i32
    %add3A = arith.addi %mul3A_0, %arg0 : i32
    %broadcast_in_dim3A = arith.constant 0 : i32
    %broadcast_in_dim3A_1 = vector.broadcast %broadcast_in_dim3A : i32 to vector<16xi32>
    %iota3A = tpu.iota {dimensions = array<i32: 0>} : vector<16xi32>
    %scan3A = arith.constant 0 : i32
    %scan3A_2 = arith.constant 250 : i32
    %scan3A_3 = arith.addi %scan3A, %scan3A_2 : i32
    %scan3A_4 = arith.constant 1 : i32
    scf.for %scan3A_11 = %scan3A to %scan3A_3 step %scan3A_4  : i32 {
      %mul3A_12 = arith.constant 1 : i32
      %mul3A_13 = arith.muli %scan3A_11, %mul3A_12 : i32
      %add3A_14 = arith.constant 0 : i32
      %add3A_15 = arith.addi %add3A_14, %mul3A_13 : i32
      %scan3A_16 = arith.constant 0 : i32
      %scan3A_17 = arith.constant 16 : i32
      %scan3A_18 = arith.addi %scan3A_16, %scan3A_17 : i32
      %scan3A_19 = arith.constant 1 : i32
      scf.for %scan3A_21 = %scan3A_16 to %scan3A_18 step %scan3A_19  : i32 {
        %mul3A_22 = arith.constant 16 : i32
        %mul3A_23 = arith.muli %scan3A_21, %mul3A_22 : i32
        %add3A_24 = arith.constant 0 : i32
        %add3A_25 = arith.addi %add3A_24, %mul3A_23 : i32
        %swap3A = arith.index_cast %add3A_15 : i32 to index
        %swap3A_26 = arith.index_cast %add3A_25 : i32 to index
        %swap3A_27 = tpu.vector_load %arg4[%swap3A, %swap3A_26] {strides = array<i32>} : memref<250x256xi32, #tpu.memory_space<vmem>>, vector<16xi32>,
        tpu.vector_store %arg4[%swap3A, %swap3A_26], %broadcast_in_dim3A_1 {strides = array<i32>} : memref<250x256xi32, #tpu.memory_space<vmem>>, vector<16xi32>,
      }
      %scan3A_20 = arith.constant 16 : i32
    }
    %scan3A_5 = arith.constant 250 : i32
    %scan3A_6 = arith.constant 0 : i32
    %scan3A_7 = arith.constant 52 : i32
    %scan3A_8 = arith.addi %scan3A_6, %scan3A_7 : i32
    %scan3A_9 = arith.constant 1 : i32
    scf.for %scan3A_11 = %scan3A_6 to %scan3A_8 step %scan3A_9  : i32 {
      %mul3A_12 = arith.constant 1 : i32
      %mul3A_13 = arith.muli %scan3A_11, %mul3A_12 : i32
      %add3A_14 = arith.constant 0 : i32
      %add3A_15 = arith.addi %add3A_14, %mul3A_13 : i32
      %jit3A = arith.constant 2 : i32
      %div3A = arith.divsi %add3A_15, %jit3A : i32
      %sign3A = arith.constant 0 : i32
      %sign3A_16 = arith.cmpi sgt, %add3A_15, %sign3A : i32
      %sign3A_17 = arith.extui %sign3A_16 : i1 to i32
      %sign3A_18 = arith.constant 0 : i32
      %sign3A_19 = arith.cmpi slt, %add3A_15, %sign3A_18 : i32
      %sign3A_20 = arith.extui %sign3A_19 : i1 to i32
      %sign3A_21 = arith.subi %sign3A_17, %sign3A_20 : i32
      %sign3A_22 = arith.constant 0 : i32
      %sign3A_23 = arith.cmpi sgt, %jit3A, %sign3A_22 : i32
      %sign3A_24 = arith.extui %sign3A_23 : i1 to i32
      %sign3A_25 = arith.constant 0 : i32
      %sign3A_26 = arith.cmpi slt, %jit3A, %sign3A_25 : i32
      %sign3A_27 = arith.extui %sign3A_26 : i1 to i32
      %sign3A_28 = arith.subi %sign3A_24, %sign3A_27 : i32
      %ne3A = arith.cmpi ne, %sign3A_21, %sign3A_28 : i32
      %rem3A = arith.remsi %add3A_15, %jit3A : i32
      %ne3A_29 = arith.constant 0 : i32
      %ne3A_30 = arith.cmpi ne, %rem3A, %ne3A_29 : i32
      %and3A = arith.andi %ne3A, %ne3A_30 : i1
      %sub3A = arith.constant 1 : i32
      %sub3A_31 = arith.subi %div3A, %sub3A : i32
      %select_n3A = arith.select %and3A, %sub3A_31, %div3A : i32
      %jit3A_32 = arith.constant 2 : i32
      %eq3A = arith.constant 0 : i32
      %eq3A_33 = arith.cmpi eq, %jit3A_32, %eq3A : i32
      %jit3A_34 = arith.constant 1 : i32
      %select_n3A_35 = arith.select %eq3A_33, %jit3A_34, %jit3A_32 : i32
      %rem3A_36 = arith.remsi %add3A_15, %select_n3A_35 : i32
      %ne3A_37 = arith.constant 0 : i32
      %ne3A_38 = arith.cmpi ne, %rem3A_36, %ne3A_37 : i32
      %lt3A = arith.constant 0 : i32
      %lt3A_39 = arith.cmpi slt, %rem3A_36, %lt3A : i32
      %lt3A_40 = arith.constant 0 : i32
      %lt3A_41 = arith.cmpi slt, %select_n3A_35, %lt3A_40 : i32
      %ne3A_42 = arith.xori %lt3A_39, %lt3A_41 : i1
      %and3A_43 = arith.andi %ne3A_42, %ne3A_38 : i1
      %add3A_44 = arith.addi %rem3A_36, %select_n3A_35 : i32
      %select_n3A_45 = arith.select %and3A_43, %add3A_44, %rem3A_36 : i32
      %mul3A_46 = arith.constant 512 : i32
      %mul3A_47 = arith.muli %add3A, %mul3A_46 : i32
      %mul3A_48 = arith.constant 256 : i32
      %mul3A_49 = arith.muli %select_n3A_45, %mul3A_48 : i32
      %add3A_50 = arith.addi %mul3A_47, %mul3A_49 : i32
      %dma_start3A = tpu.memref_slice %arg2[%select_n3A, %add3A_50] : memref<26x16384xi32, #tpu.memory_space<hbm>> -> memref<1x256xi32, #tpu.memory_space<hbm>>
      %dma_start3A_51 = tpu.memref_squeeze %dma_start3A : memref<1x256xi32, #tpu.memory_space<hbm>> -> memref<256xi32, #tpu.memory_space<hbm>>
      %dma_start3A_52 = tpu.memref_slice %arg2[%select_n3A, %add3A_50] : memref<26x16384xi32, #tpu.memory_space<hbm>> -> memref<1x256xi32, #tpu.memory_space<hbm>>
      %dma_start3A_53 = tpu.memref_squeeze %dma_start3A_52 : memref<1x256xi32, #tpu.memory_space<hbm>> -> memref<256xi32, #tpu.memory_space<hbm>>
      tpu.enqueue_dma source(%dma_start3A_53 : memref<256xi32, #tpu.memory_space<hbm>>) target(%arg5 : memref<256xi32, #tpu.memory_space<vmem>>) target_semaphore(%arg6 : memref<!tpu.dma_semaphore, #tpu.memory_space<semaphore_mem>>)
      %dma_wait3A = tpu.memref_slice %arg2[%select_n3A, %add3A_50] : memref<26x16384xi32, #tpu.memory_space<hbm>> -> memref<1x256xi32, #tpu.memory_space<hbm>>
      %dma_wait3A_54 = tpu.memref_squeeze %dma_wait3A : memref<1x256xi32, #tpu.memory_space<hbm>> -> memref<256xi32, #tpu.memory_space<hbm>>
      %dma_wait3A_55 = tpu.memref_slice %arg2[%select_n3A, %add3A_50] : memref<26x16384xi32, #tpu.memory_space<hbm>> -> memref<1x256xi32, #tpu.memory_space<hbm>>
      %dma_wait3A_56 = tpu.memref_squeeze %dma_wait3A_55 : memref<1x256xi32, #tpu.memory_space<hbm>> -> memref<256xi32, #tpu.memory_space<hbm>>
      tpu.wait_dma2 semaphore(%arg6 : memref<!tpu.dma_semaphore, #tpu.memory_space<semaphore_mem>>) src(%dma_wait3A_56 : memref<256xi32, #tpu.memory_space<hbm>>) dst(%arg5 : memref<256xi32, #tpu.memory_space<vmem>>)
      %get3A = arith.constant 0 : index
      %get3A_57 = tpu.vector_load %arg5[%get3A] {strides = array<i32>} : memref<256xi32, #tpu.memory_space<vmem>>, vector<16xi32>,
      %shift_right_arithmetic3A = arith.constant 2 : i32
      %shift_right_arithmetic3A_58 = vector.broadcast %shift_right_arithmetic3A : i32 to vector<16xi32>
      %shift_right_arithmetic3A_59 = arith.shrsi %get3A_57, %shift_right_arithmetic3A_58 : vector<16xi32>
      %and3A_60 = arith.constant 3 : i32
      %and3A_61 = vector.broadcast %and3A_60 : i32 to vector<16xi32>
      %and3A_62 = arith.andi %get3A_57, %and3A_61 : vector<16xi32>
      %mul3A_63 = arith.constant 8 : i32
      %mul3A_64 = vector.broadcast %mul3A_63 : i32 to vector<16xi32>
      %mul3A_65 = arith.muli %mul3A_64, %and3A_62 : vector<16xi32>
      %shift_left3A = arith.constant 1 : i32
      %shift_left3A_66 = vector.broadcast %shift_left3A : i32 to vector<16xi32>
      %shift_left3A_67 = arith.shli %shift_left3A_66, %mul3A_65 : vector<16xi32>
      %add3A_68 = arith.constant 0 : i32
      %add3A_69 = vector.broadcast %add3A_68 : i32 to vector<16xi32>
      %add3A_70 = arith.addi %iota3A, %add3A_69 : vector<16xi32>
      tpu.vector_store_idx %arg4[%shift_right_arithmetic3A_59, %add3A_70], %shift_left3A_67 : memref<250x256xi32, #tpu.memory_space<vmem>>[vector<16xi32>, vector<16xi32>], vector<16xi32>,
      %get3A_71 = arith.constant 16 : index
      %get3A_72 = tpu.vector_load %arg5[%get3A_71] {strides = array<i32>} : memref<256xi32, #tpu.memory_space<vmem>>, vector<16xi32>,
      %shift_right_arithmetic3A_73 = arith.constant 2 : i32
      %shift_right_arithmetic3A_74 = vector.broadcast %shift_right_arithmetic3A_73 : i32 to vector<16xi32>
      %shift_right_arithmetic3A_75 = arith.shrsi %get3A_72, %shift_right_arithmetic3A_74 : vector<16xi32>
      %and3A_76 = arith.constant 3 : i32
      %and3A_77 = vector.broadcast %and3A_76 : i32 to vector<16xi32>
      %and3A_78 = arith.andi %get3A_72, %and3A_77 : vector<16xi32>
      %mul3A_79 = arith.constant 8 : i32
      %mul3A_80 = vector.broadcast %mul3A_79 : i32 to vector<16xi32>
      %mul3A_81 = arith.muli %mul3A_80, %and3A_78 : vector<16xi32>
      %shift_left3A_82 = arith.constant 1 : i32
      %shift_left3A_83 = vector.broadcast %shift_left3A_82 : i32 to vector<16xi32>
      %shift_left3A_84 = arith.shli %shift_left3A_83, %mul3A_81 : vector<16xi32>
      %add3A_85 = arith.constant 16 : i32
      %add3A_86 = vector.broadcast %add3A_85 : i32 to vector<16xi32>
      %add3A_87 = arith.addi %iota3A, %add3A_86 : vector<16xi32>
      tpu.vector_store_idx %arg4[%shift_right_arithmetic3A_75, %add3A_87], %shift_left3A_84 : memref<250x256xi32, #tpu.memory_space<vmem>>[vector<16xi32>, vector<16xi32>], vector<16xi32>,
      %get3A_88 = arith.constant 32 : index
      %get3A_89 = tpu.vector_load %arg5[%get3A_88] {strides = array<i32>} : memref<256xi32, #tpu.memory_space<vmem>>, vector<16xi32>,
      %shift_right_arithmetic3A_90 = arith.constant 2 : i32
      %shift_right_arithmetic3A_91 = vector.broadcast %shift_right_arithmetic3A_90 : i32 to vector<16xi32>
      %shift_right_arithmetic3A_92 = arith.shrsi %get3A_89, %shift_right_arithmetic3A_91 : vector<16xi32>
      %and3A_93 = arith.constant 3 : i32
      %and3A_94 = vector.broadcast %and3A_93 : i32 to vector<16xi32>
      %and3A_95 = arith.andi %get3A_89, %and3A_94 : vector<16xi32>
      %mul3A_96 = arith.constant 8 : i32
      %mul3A_97 = vector.broadcast %mul3A_96 : i32 to vector<16xi32>
      %mul3A_98 = arith.muli %mul3A_97, %and3A_95 : vector<16xi32>
      %shift_left3A_99 = arith.constant 1 : i32
      %shift_left3A_100 = vector.broadcast %shift_left3A_99 : i32 to vector<16xi32>
      %shift_left3A_101 = arith.shli %shift_left3A_100, %mul3A_98 : vector<16xi32>
      %add3A_102 = arith.constant 32 : i32
      %add3A_103 = vector.broadcast %add3A_102 : i32 to vector<16xi32>
      %add3A_104 = arith.addi %iota3A, %add3A_103 : vector<16xi32>
      tpu.vector_store_idx %arg4[%shift_right_arithmetic3A_92, %add3A_104], %shift_left3A_101 : memref<250x256xi32, #tpu.memory_space<vmem>>[vector<16xi32>, vector<16xi32>], vector<16xi32>,
      %get3A_105 = arith.constant 48 : index
      %get3A_106 = tpu.vector_load %arg5[%get3A_105] {strides = array<i32>} : memref<256xi32, #tpu.memory_space<vmem>>, vector<16xi32>,
      %shift_right_arithmetic3A_107 = arith.constant 2 : i32
      %shift_right_arithmetic3A_108 = vector.broadcast %shift_right_arithmetic3A_107 : i32 to vector<16xi32>
      %shift_right_arithmetic3A_109 = arith.shrsi %get3A_106, %shift_right_arithmetic3A_108 : vector<16xi32>
      %and3A_110 = arith.constant 3 : i32
      %and3A_111 = vector.broadcast %and3A_110 : i32 to vector<16xi32>
      %and3A_112 = arith.andi %get3A_106, %and3A_111 : vector<16xi32>
      %mul3A_113 = arith.constant 8 : i32
      %mul3A_114 = vector.broadcast %mul3A_113 : i32 to vector<16xi32>
      %mul3A_115 = arith.muli %mul3A_114, %and3A_112 : vector<16xi32>
      %shift_left3A_116 = arith.constant 1 : i32
      %shift_left3A_117 = vector.broadcast %shift_left3A_116 : i32 to vector<16xi32>
      %shift_left3A_118 = arith.shli %shift_left3A_117, %mul3A_115 : vector<16xi32>
      %add3A_119 = arith.constant 48 : i32
      %add3A_120 = vector.broadcast %add3A_119 : i32 to vector<16xi32>
      %add3A_121 = arith.addi %iota3A, %add3A_120 : vector<16xi32>
      tpu.vector_store_idx %arg4[%shift_right_arithmetic3A_109, %add3A_121], %shift_left3A_118 : memref<250x256xi32, #tpu.memory_space<vmem>>[vector<16xi32>, vector<16xi32>], vector<16xi32>,
      %get3A_122 = arith.constant 64 : index
      %get3A_123 = tpu.vector_load %arg5[%get3A_122] {strides = array<i32>} : memref<256xi32, #tpu.memory_space<vmem>>, vector<16xi32>,
      %shift_right_arithmetic3A_124 = arith.constant 2 : i32
      %shift_right_arithmetic3A_125 = vector.broadcast %shift_right_arithmetic3A_124 : i32 to vector<16xi32>
      %shift_right_arithmetic3A_126 = arith.shrsi %get3A_123, %shift_right_arithmetic3A_125 : vector<16xi32>
      %and3A_127 = arith.constant 3 : i32
      %and3A_128 = vector.broadcast %and3A_127 : i32 to vector<16xi32>
      %and3A_129 = arith.andi %get3A_123, %and3A_128 : vector<16xi32>
      %mul3A_130 = arith.constant 8 : i32
      %mul3A_131 = vector.broadcast %mul3A_130 : i32 to vector<16xi32>
      %mul3A_132 = arith.muli %mul3A_131, %and3A_129 : vector<16xi32>
      %shift_left3A_133 = arith.constant 1 : i32
      %shift_left3A_134 = vector.broadcast %shift_left3A_133 : i32 to vector<16xi32>
      %shift_left3A_135 = arith.shli %shift_left3A_134, %mul3A_132 : vector<16xi32>
      %add3A_136 = arith.constant 64 : i32
      %add3A_137 = vector.broadcast %add3A_136 : i32 to vector<16xi32>
      %add3A_138 = arith.addi %iota3A, %add3A_137 : vector<16xi32>
      tpu.vector_store_idx %arg4[%shift_right_arithmetic3A_126, %add3A_138], %shift_left3A_135 : memref<250x256xi32, #tpu.memory_space<vmem>>[vector<16xi32>, vector<16xi32>], vector<16xi32>,
      %get3A_139 = arith.constant 80 : index
      %get3A_140 = tpu.vector_load %arg5[%get3A_139] {strides = array<i32>} : memref<256xi32, #tpu.memory_space<vmem>>, vector<16xi32>,
      %shift_right_arithmetic3A_141 = arith.constant 2 : i32
      %shift_right_arithmetic3A_142 = vector.broadcast %shift_right_arithmetic3A_141 : i32 to vector<16xi32>
      %shift_right_arithmetic3A_143 = arith.shrsi %get3A_140, %shift_right_arithmetic3A_142 : vector<16xi32>
      %and3A_144 = arith.constant 3 : i32
      %and3A_145 = vector.broadcast %and3A_144 : i32 to vector<16xi32>
      %and3A_146 = arith.andi %get3A_140, %and3A_145 : vector<16xi32>
      %mul3A_147 = arith.constant 8 : i32
      %mul3A_148 = vector.broadcast %mul3A_147 : i32 to vector<16xi32>
      %mul3A_149 = arith.muli %mul3A_148, %and3A_146 : vector<16xi32>
      %shift_left3A_150 = arith.constant 1 : i32
      %shift_left3A_151 = vector.broadcast %shift_left3A_150 : i32 to vector<16xi32>
      %shift_left3A_152 = arith.shli %shift_left3A_151, %mul3A_149 : vector<16xi32>
      %add3A_153 = arith.constant 80 : i32
      %add3A_154 = vector.broadcast %add3A_153 : i32 to vector<16xi32>
      %add3A_155 = arith.addi %iota3A, %add3A_154 : vector<16xi32>
      tpu.vector_store_idx %arg4[%shift_right_arithmetic3A_143, %add3A_155], %shift_left3A_152 : memref<250x256xi32, #tpu.memory_space<vmem>>[vector<16xi32>, vector<16xi32>], vector<16xi32>,
      %get3A_156 = arith.constant 96 : index
      %get3A_157 = tpu.vector_load %arg5[%get3A_156] {strides = array<i32>} : memref<256xi32, #tpu.memory_space<vmem>>, vector<16xi32>,
      %shift_right_arithmetic3A_158 = arith.constant 2 : i32
      %shift_right_arithmetic3A_159 = vector.broadcast %shift_right_arithmetic3A_158 : i32 to vector<16xi32>
      %shift_right_arithmetic3A_160 = arith.shrsi %get3A_157, %shift_right_arithmetic3A_159 : vector<16xi32>
      %and3A_161 = arith.constant 3 : i32
      %and3A_162 = vector.broadcast %and3A_161 : i32 to vector<16xi32>
      %and3A_163 = arith.andi %get3A_157, %and3A_162 : vector<16xi32>
      %mul3A_164 = arith.constant 8 : i32
      %mul3A_165 = vector.broadcast %mul3A_164 : i32 to vector<16xi32>
      %mul3A_166 = arith.muli %mul3A_165, %and3A_163 : vector<16xi32>
      %shift_left3A_167 = arith.constant 1 : i32
      %shift_left3A_168 = vector.broadcast %shift_left3A_167 : i32 to vector<16xi32>
      %shift_left3A_169 = arith.shli %shift_left3A_168, %mul3A_166 : vector<16xi32>
      %add3A_170 = arith.constant 96 : i32
      %add3A_171 = vector.broadcast %add3A_170 : i32 to vector<16xi32>
      %add3A_172 = arith.addi %iota3A, %add3A_171 : vector<16xi32>
      tpu.vector_store_idx %arg4[%shift_right_arithmetic3A_160, %add3A_172], %shift_left3A_169 : memref<250x256xi32, #tpu.memory_space<vmem>>[vector<16xi32>, vector<16xi32>], vector<16xi32>,
      %get3A_173 = arith.constant 112 : index
      %get3A_174 = tpu.vector_load %arg5[%get3A_173] {strides = array<i32>} : memref<256xi32, #tpu.memory_space<vmem>>, vector<16xi32>,
      %shift_right_arithmetic3A_175 = arith.constant 2 : i32
      %shift_right_arithmetic3A_176 = vector.broadcast %shift_right_arithmetic3A_175 : i32 to vector<16xi32>
      %shift_right_arithmetic3A_177 = arith.shrsi %get3A_174, %shift_right_arithmetic3A_176 : vector<16xi32>
      %and3A_178 = arith.constant 3 : i32
      %and3A_179 = vector.broadcast %and3A_178 : i32 to vector<16xi32>
      %and3A_180 = arith.andi %get3A_174, %and3A_179 : vector<16xi32>
      %mul3A_181 = arith.constant 8 : i32
      %mul3A_182 = vector.broadcast %mul3A_181 : i32 to vector<16xi32>
      %mul3A_183 = arith.muli %mul3A_182, %and3A_180 : vector<16xi32>
      %shift_left3A_184 = arith.constant 1 : i32
      %shift_left3A_185 = vector.broadcast %shift_left3A_184 : i32 to vector<16xi32>
      %shift_left3A_186 = arith.shli %shift_left3A_185, %mul3A_183 : vector<16xi32>
      %add3A_187 = arith.constant 112 : i32
      %add3A_188 = vector.broadcast %add3A_187 : i32 to vector<16xi32>
      %add3A_189 = arith.addi %iota3A, %add3A_188 : vector<16xi32>
      tpu.vector_store_idx %arg4[%shift_right_arithmetic3A_177, %add3A_189], %shift_left3A_186 : memref<250x256xi32, #tpu.memory_space<vmem>>[vector<16xi32>, vector<16xi32>], vector<16xi32>,
      %get3A_190 = arith.constant 128 : index
      %get3A_191 = tpu.vector_load %arg5[%get3A_190] {strides = array<i32>} : memref<256xi32, #tpu.memory_space<vmem>>, vector<16xi32>,
      %shift_right_arithmetic3A_192 = arith.constant 2 : i32
      %shift_right_arithmetic3A_193 = vector.broadcast %shift_right_arithmetic3A_192 : i32 to vector<16xi32>
      %shift_right_arithmetic3A_194 = arith.shrsi %get3A_191, %shift_right_arithmetic3A_193 : vector<16xi32>
      %and3A_195 = arith.constant 3 : i32
      %and3A_196 = vector.broadcast %and3A_195 : i32 to vector<16xi32>
      %and3A_197 = arith.andi %get3A_191, %and3A_196 : vector<16xi32>
      %mul3A_198 = arith.constant 8 : i32
      %mul3A_199 = vector.broadcast %mul3A_198 : i32 to vector<16xi32>
      %mul3A_200 = arith.muli %mul3A_199, %and3A_197 : vector<16xi32>
      %shift_left3A_201 = arith.constant 1 : i32
      %shift_left3A_202 = vector.broadcast %shift_left3A_201 : i32 to vector<16xi32>
      %shift_left3A_203 = arith.shli %shift_left3A_202, %mul3A_200 : vector<16xi32>
      %add3A_204 = arith.constant 128 : i32
      %add3A_205 = vector.broadcast %add3A_204 : i32 to vector<16xi32>
      %add3A_206 = arith.addi %iota3A, %add3A_205 : vector<16xi32>
      tpu.vector_store_idx %arg4[%shift_right_arithmetic3A_194, %add3A_206], %shift_left3A_203 : memref<250x256xi32, #tpu.memory_space<vmem>>[vector<16xi32>, vector<16xi32>], vector<16xi32>,
      %get3A_207 = arith.constant 144 : index
      %get3A_208 = tpu.vector_load %arg5[%get3A_207] {strides = array<i32>} : memref<256xi32, #tpu.memory_space<vmem>>, vector<16xi32>,
      %shift_right_arithmetic3A_209 = arith.constant 2 : i32
      %shift_right_arithmetic3A_210 = vector.broadcast %shift_right_arithmetic3A_209 : i32 to vector<16xi32>
      %shift_right_arithmetic3A_211 = arith.shrsi %get3A_208, %shift_right_arithmetic3A_210 : vector<16xi32>
      %and3A_212 = arith.constant 3 : i32
      %and3A_213 = vector.broadcast %and3A_212 : i32 to vector<16xi32>
      %and3A_214 = arith.andi %get3A_208, %and3A_213 : vector<16xi32>
      %mul3A_215 = arith.constant 8 : i32
      %mul3A_216 = vector.broadcast %mul3A_215 : i32 to vector<16xi32>
      %mul3A_217 = arith.muli %mul3A_216, %and3A_214 : vector<16xi32>
      %shift_left3A_218 = arith.constant 1 : i32
      %shift_left3A_219 = vector.broadcast %shift_left3A_218 : i32 to vector<16xi32>
      %shift_left3A_220 = arith.shli %shift_left3A_219, %mul3A_217 : vector<16xi32>
      %add3A_221 = arith.constant 144 : i32
      %add3A_222 = vector.broadcast %add3A_221 : i32 to vector<16xi32>
      %add3A_223 = arith.addi %iota3A, %add3A_222 : vector<16xi32>
      tpu.vector_store_idx %arg4[%shift_right_arithmetic3A_211, %add3A_223], %shift_left3A_220 : memref<250x256xi32, #tpu.memory_space<vmem>>[vector<16xi32>, vector<16xi32>], vector<16xi32>,
      %get3A_224 = arith.constant 160 : index
      %get3A_225 = tpu.vector_load %arg5[%get3A_224] {strides = array<i32>} : memref<256xi32, #tpu.memory_space<vmem>>, vector<16xi32>,
      %shift_right_arithmetic3A_226 = arith.constant 2 : i32
      %shift_right_arithmetic3A_227 = vector.broadcast %shift_right_arithmetic3A_226 : i32 to vector<16xi32>
      %shift_right_arithmetic3A_228 = arith.shrsi %get3A_225, %shift_right_arithmetic3A_227 : vector<16xi32>
      %and3A_229 = arith.constant 3 : i32
      %and3A_230 = vector.broadcast %and3A_229 : i32 to vector<16xi32>
      %and3A_231 = arith.andi %get3A_225, %and3A_230 : vector<16xi32>
      %mul3A_232 = arith.constant 8 : i32
      %mul3A_233 = vector.broadcast %mul3A_232 : i32 to vector<16xi32>
      %mul3A_234 = arith.muli %mul3A_233, %and3A_231 : vector<16xi32>
      %shift_left3A_235 = arith.constant 1 : i32
      %shift_left3A_236 = vector.broadcast %shift_left3A_235 : i32 to vector<16xi32>
      %shift_left3A_237 = arith.shli %shift_left3A_236, %mul3A_234 : vector<16xi32>
      %add3A_238 = arith.constant 160 : i32
      %add3A_239 = vector.broadcast %add3A_238 : i32 to vector<16xi32>
      %add3A_240 = arith.addi %iota3A, %add3A_239 : vector<16xi32>
      tpu.vector_store_idx %arg4[%shift_right_arithmetic3A_228, %add3A_240], %shift_left3A_237 : memref<250x256xi32, #tpu.memory_space<vmem>>[vector<16xi32>, vector<16xi32>], vector<16xi32>,
      %get3A_241 = arith.constant 176 : index
      %get3A_242 = tpu.vector_load %arg5[%get3A_241] {strides = array<i32>} : memref<256xi32, #tpu.memory_space<vmem>>, vector<16xi32>,
      %shift_right_arithmetic3A_243 = arith.constant 2 : i32
      %shift_right_arithmetic3A_244 = vector.broadcast %shift_right_arithmetic3A_243 : i32 to vector<16xi32>
      %shift_right_arithmetic3A_245 = arith.shrsi %get3A_242, %shift_right_arithmetic3A_244 : vector<16xi32>
      %and3A_246 = arith.constant 3 : i32
      %and3A_247 = vector.broadcast %and3A_246 : i32 to vector<16xi32>
      %and3A_248 = arith.andi %get3A_242, %and3A_247 : vector<16xi32>
      %mul3A_249 = arith.constant 8 : i32
      %mul3A_250 = vector.broadcast %mul3A_249 : i32 to vector<16xi32>
      %mul3A_251 = arith.muli %mul3A_250, %and3A_248 : vector<16xi32>
      %shift_left3A_252 = arith.constant 1 : i32
      %shift_left3A_253 = vector.broadcast %shift_left3A_252 : i32 to vector<16xi32>
      %shift_left3A_254 = arith.shli %shift_left3A_253, %mul3A_251 : vector<16xi32>
      %add3A_255 = arith.constant 176 : i32
      %add3A_256 = vector.broadcast %add3A_255 : i32 to vector<16xi32>
      %add3A_257 = arith.addi %iota3A, %add3A_256 : vector<16xi32>
      tpu.vector_store_idx %arg4[%shift_right_arithmetic3A_245, %add3A_257], %shift_left3A_254 : memref<250x256xi32, #tpu.memory_space<vmem>>[vector<16xi32>, vector<16xi32>], vector<16xi32>,
      %get3A_258 = arith.constant 192 : index
      %get3A_259 = tpu.vector_load %arg5[%get3A_258] {strides = array<i32>} : memref<256xi32, #tpu.memory_space<vmem>>, vector<16xi32>,
      %shift_right_arithmetic3A_260 = arith.constant 2 : i32
      %shift_right_arithmetic3A_261 = vector.broadcast %shift_right_arithmetic3A_260 : i32 to vector<16xi32>
      %shift_right_arithmetic3A_262 = arith.shrsi %get3A_259, %shift_right_arithmetic3A_261 : vector<16xi32>
      %and3A_263 = arith.constant 3 : i32
      %and3A_264 = vector.broadcast %and3A_263 : i32 to vector<16xi32>
      %and3A_265 = arith.andi %get3A_259, %and3A_264 : vector<16xi32>
      %mul3A_266 = arith.constant 8 : i32
      %mul3A_267 = vector.broadcast %mul3A_266 : i32 to vector<16xi32>
      %mul3A_268 = arith.muli %mul3A_267, %and3A_265 : vector<16xi32>
      %shift_left3A_269 = arith.constant 1 : i32
      %shift_left3A_270 = vector.broadcast %shift_left3A_269 : i32 to vector<16xi32>
      %shift_left3A_271 = arith.shli %shift_left3A_270, %mul3A_268 : vector<16xi32>
      %add3A_272 = arith.constant 192 : i32
      %add3A_273 = vector.broadcast %add3A_272 : i32 to vector<16xi32>
      %add3A_274 = arith.addi %iota3A, %add3A_273 : vector<16xi32>
      tpu.vector_store_idx %arg4[%shift_right_arithmetic3A_262, %add3A_274], %shift_left3A_271 : memref<250x256xi32, #tpu.memory_space<vmem>>[vector<16xi32>, vector<16xi32>], vector<16xi32>,
      %get3A_275 = arith.constant 208 : index
      %get3A_276 = tpu.vector_load %arg5[%get3A_275] {strides = array<i32>} : memref<256xi32, #tpu.memory_space<vmem>>, vector<16xi32>,
      %shift_right_arithmetic3A_277 = arith.constant 2 : i32
      %shift_right_arithmetic3A_278 = vector.broadcast %shift_right_arithmetic3A_277 : i32 to vector<16xi32>
      %shift_right_arithmetic3A_279 = arith.shrsi %get3A_276, %shift_right_arithmetic3A_278 : vector<16xi32>
      %and3A_280 = arith.constant 3 : i32
      %and3A_281 = vector.broadcast %and3A_280 : i32 to vector<16xi32>
      %and3A_282 = arith.andi %get3A_276, %and3A_281 : vector<16xi32>
      %mul3A_283 = arith.constant 8 : i32
      %mul3A_284 = vector.broadcast %mul3A_283 : i32 to vector<16xi32>
      %mul3A_285 = arith.muli %mul3A_284, %and3A_282 : vector<16xi32>
      %shift_left3A_286 = arith.constant 1 : i32
      %shift_left3A_287 = vector.broadcast %shift_left3A_286 : i32 to vector<16xi32>
      %shift_left3A_288 = arith.shli %shift_left3A_287, %mul3A_285 : vector<16xi32>
      %add3A_289 = arith.constant 208 : i32
      %add3A_290 = vector.broadcast %add3A_289 : i32 to vector<16xi32>
      %add3A_291 = arith.addi %iota3A, %add3A_290 : vector<16xi32>
      tpu.vector_store_idx %arg4[%shift_right_arithmetic3A_279, %add3A_291], %shift_left3A_288 : memref<250x256xi32, #tpu.memory_space<vmem>>[vector<16xi32>, vector<16xi32>], vector<16xi32>,
      %get3A_292 = arith.constant 224 : index
      %get3A_293 = tpu.vector_load %arg5[%get3A_292] {strides = array<i32>} : memref<256xi32, #tpu.memory_space<vmem>>, vector<16xi32>,
      %shift_right_arithmetic3A_294 = arith.constant 2 : i32
      %shift_right_arithmetic3A_295 = vector.broadcast %shift_right_arithmetic3A_294 : i32 to vector<16xi32>
      %shift_right_arithmetic3A_296 = arith.shrsi %get3A_293, %shift_right_arithmetic3A_295 : vector<16xi32>
      %and3A_297 = arith.constant 3 : i32
      %and3A_298 = vector.broadcast %and3A_297 : i32 to vector<16xi32>
      %and3A_299 = arith.andi %get3A_293, %and3A_298 : vector<16xi32>
      %mul3A_300 = arith.constant 8 : i32
      %mul3A_301 = vector.broadcast %mul3A_300 : i32 to vector<16xi32>
      %mul3A_302 = arith.muli %mul3A_301, %and3A_299 : vector<16xi32>
      %shift_left3A_303 = arith.constant 1 : i32
      %shift_left3A_304 = vector.broadcast %shift_left3A_303 : i32 to vector<16xi32>
      %shift_left3A_305 = arith.shli %shift_left3A_304, %mul3A_302 : vector<16xi32>
      %add3A_306 = arith.constant 224 : i32
      %add3A_307 = vector.broadcast %add3A_306 : i32 to vector<16xi32>
      %add3A_308 = arith.addi %iota3A, %add3A_307 : vector<16xi32>
      tpu.vector_store_idx %arg4[%shift_right_arithmetic3A_296, %add3A_308], %shift_left3A_305 : memref<250x256xi32, #tpu.memory_space<vmem>>[vector<16xi32>, vector<16xi32>], vector<16xi32>,
      %get3A_309 = arith.constant 240 : index
      %get3A_310 = tpu.vector_load %arg5[%get3A_309] {strides = array<i32>} : memref<256xi32, #tpu.memory_space<vmem>>, vector<16xi32>,
      %shift_right_arithmetic3A_311 = arith.constant 2 : i32
      %shift_right_arithmetic3A_312 = vector.broadcast %shift_right_arithmetic3A_311 : i32 to vector<16xi32>
      %shift_right_arithmetic3A_313 = arith.shrsi %get3A_310, %shift_right_arithmetic3A_312 : vector<16xi32>
      %and3A_314 = arith.constant 3 : i32
      %and3A_315 = vector.broadcast %and3A_314 : i32 to vector<16xi32>
      %and3A_316 = arith.andi %get3A_310, %and3A_315 : vector<16xi32>
      %mul3A_317 = arith.constant 8 : i32
      %mul3A_318 = vector.broadcast %mul3A_317 : i32 to vector<16xi32>
      %mul3A_319 = arith.muli %mul3A_318, %and3A_316 : vector<16xi32>
      %shift_left3A_320 = arith.constant 1 : i32
      %shift_left3A_321 = vector.broadcast %shift_left3A_320 : i32 to vector<16xi32>
      %shift_left3A_322 = arith.shli %shift_left3A_321, %mul3A_319 : vector<16xi32>
      %add3A_323 = arith.constant 240 : i32
      %add3A_324 = vector.broadcast %add3A_323 : i32 to vector<16xi32>
      %add3A_325 = arith.addi %iota3A, %add3A_324 : vector<16xi32>
      tpu.vector_store_idx %arg4[%shift_right_arithmetic3A_313, %add3A_325], %shift_left3A_322 : memref<250x256xi32, #tpu.memory_space<vmem>>[vector<16xi32>, vector<16xi32>], vector<16xi32>,
      %dma_start3A_326 = arith.constant 0 : i32
      %dma_start3A_327 = tpu.memref_slice %arg3[%select_n3A, %dma_start3A_326, %add3A_50] : memref<26x250x16384xi32, #tpu.memory_space<hbm>> -> memref<1x250x256xi32, #tpu.memory_space<hbm>>
      %dma_start3A_328 = tpu.memref_squeeze %dma_start3A_327 : memref<1x250x256xi32, #tpu.memory_space<hbm>> -> memref<250x256xi32, #tpu.memory_space<hbm>>
      %dma_start3A_329 = arith.constant 0 : i32
      %dma_start3A_330 = tpu.memref_slice %arg3[%select_n3A, %dma_start3A_329, %add3A_50] : memref<26x250x16384xi32, #tpu.memory_space<hbm>> -> memref<1x250x256xi32, #tpu.memory_space<hbm>>
      %dma_start3A_331 = tpu.memref_squeeze %dma_start3A_330 : memref<1x250x256xi32, #tpu.memory_space<hbm>> -> memref<250x256xi32, #tpu.memory_space<hbm>>
      tpu.enqueue_dma source(%arg4 : memref<250x256xi32, #tpu.memory_space<vmem>>) target(%dma_start3A_331 : memref<250x256xi32, #tpu.memory_space<hbm>>) target_semaphore(%arg6 : memref<!tpu.dma_semaphore, #tpu.memory_space<semaphore_mem>>)
      %dma_wait3A_332 = arith.constant 0 : i32
      %dma_wait3A_333 = tpu.memref_slice %arg3[%select_n3A, %dma_wait3A_332, %add3A_50] : memref<26x250x16384xi32, #tpu.memory_space<hbm>> -> memref<1x250x256xi32, #tpu.memory_space<hbm>>
      %dma_wait3A_334 = tpu.memref_squeeze %dma_wait3A_333 : memref<1x250x256xi32, #tpu.memory_space<hbm>> -> memref<250x256xi32, #tpu.memory_space<hbm>>
      %dma_wait3A_335 = arith.constant 0 : i32
      %dma_wait3A_336 = tpu.memref_slice %arg3[%select_n3A, %dma_wait3A_335, %add3A_50] : memref<26x250x16384xi32, #tpu.memory_space<hbm>> -> memref<1x250x256xi32, #tpu.memory_space<hbm>>
      %dma_wait3A_337 = tpu.memref_squeeze %dma_wait3A_336 : memref<1x250x256xi32, #tpu.memory_space<hbm>> -> memref<250x256xi32, #tpu.memory_space<hbm>>
      tpu.wait_dma2 semaphore(%arg6 : memref<!tpu.dma_semaphore, #tpu.memory_space<semaphore_mem>>) src(%arg4 : memref<250x256xi32, #tpu.memory_space<vmem>>) dst(%dma_wait3A_337 : memref<250x256xi32, #tpu.memory_space<hbm>>)
      %get3A_338 = arith.constant 0 : index
      %get3A_339 = tpu.vector_load %arg5[%get3A_338] {strides = array<i32>} : memref<256xi32, #tpu.memory_space<vmem>>, vector<16xi32>,
      %shift_right_arithmetic3A_340 = arith.constant 2 : i32
      %shift_right_arithmetic3A_341 = vector.broadcast %shift_right_arithmetic3A_340 : i32 to vector<16xi32>
      %shift_right_arithmetic3A_342 = arith.shrsi %get3A_339, %shift_right_arithmetic3A_341 : vector<16xi32>
      %add3A_343 = arith.constant 0 : i32
      %add3A_344 = vector.broadcast %add3A_343 : i32 to vector<16xi32>
      %add3A_345 = arith.addi %iota3A, %add3A_344 : vector<16xi32>
      tpu.vector_store_idx %arg4[%shift_right_arithmetic3A_342, %add3A_345], %broadcast_in_dim3A_1 : memref<250x256xi32, #tpu.memory_space<vmem>>[vector<16xi32>, vector<16xi32>], vector<16xi32>,
      %get3A_346 = arith.constant 16 : index
      %get3A_347 = tpu.vector_load %arg5[%get3A_346] {strides = array<i32>} : memref<256xi32, #tpu.memory_space<vmem>>, vector<16xi32>,
      %shift_right_arithmetic3A_348 = arith.constant 2 : i32
      %shift_right_arithmetic3A_349 = vector.broadcast %shift_right_arithmetic3A_348 : i32 to vector<16xi32>
      %shift_right_arithmetic3A_350 = arith.shrsi %get3A_347, %shift_right_arithmetic3A_349 : vector<16xi32>
      %add3A_351 = arith.constant 16 : i32
      %add3A_352 = vector.broadcast %add3A_351 : i32 to vector<16xi32>
      %add3A_353 = arith.addi %iota3A, %add3A_352 : vector<16xi32>
      tpu.vector_store_idx %arg4[%shift_right_arithmetic3A_350, %add3A_353], %broadcast_in_dim3A_1 : memref<250x256xi32, #tpu.memory_space<vmem>>[vector<16xi32>, vector<16xi32>], vector<16xi32>,
      %get3A_354 = arith.constant 32 : index
      %get3A_355 = tpu.vector_load %arg5[%get3A_354] {strides = array<i32>} : memref<256xi32, #tpu.memory_space<vmem>>, vector<16xi32>,
      %shift_right_arithmetic3A_356 = arith.constant 2 : i32
      %shift_right_arithmetic3A_357 = vector.broadcast %shift_right_arithmetic3A_356 : i32 to vector<16xi32>
      %shift_right_arithmetic3A_358 = arith.shrsi %get3A_355, %shift_right_arithmetic3A_357 : vector<16xi32>
      %add3A_359 = arith.constant 32 : i32
      %add3A_360 = vector.broadcast %add3A_359 : i32 to vector<16xi32>
      %add3A_361 = arith.addi %iota3A, %add3A_360 : vector<16xi32>
      tpu.vector_store_idx %arg4[%shift_right_arithmetic3A_358, %add3A_361], %broadcast_in_dim3A_1 : memref<250x256xi32, #tpu.memory_space<vmem>>[vector<16xi32>, vector<16xi32>], vector<16xi32>,
      %get3A_362 = arith.constant 48 : index
      %get3A_363 = tpu.vector_load %arg5[%get3A_362] {strides = array<i32>} : memref<256xi32, #tpu.memory_space<vmem>>, vector<16xi32>,
      %shift_right_arithmetic3A_364 = arith.constant 2 : i32
      %shift_right_arithmetic3A_365 = vector.broadcast %shift_right_arithmetic3A_364 : i32 to vector<16xi32>
      %shift_right_arithmetic3A_366 = arith.shrsi %get3A_363, %shift_right_arithmetic3A_365 : vector<16xi32>
      %add3A_367 = arith.constant 48 : i32
      %add3A_368 = vector.broadcast %add3A_367 : i32 to vector<16xi32>
      %add3A_369 = arith.addi %iota3A, %add3A_368 : vector<16xi32>
      tpu.vector_store_idx %arg4[%shift_right_arithmetic3A_366, %add3A_369], %broadcast_in_dim3A_1 : memref<250x256xi32, #tpu.memory_space<vmem>>[vector<16xi32>, vector<16xi32>], vector<16xi32>,
      %get3A_370 = arith.constant 64 : index
      %get3A_371 = tpu.vector_load %arg5[%get3A_370] {strides = array<i32>} : memref<256xi32, #tpu.memory_space<vmem>>, vector<16xi32>,
      %shift_right_arithmetic3A_372 = arith.constant 2 : i32
      %shift_right_arithmetic3A_373 = vector.broadcast %shift_right_arithmetic3A_372 : i32 to vector<16xi32>
      %shift_right_arithmetic3A_374 = arith.shrsi %get3A_371, %shift_right_arithmetic3A_373 : vector<16xi32>
      %add3A_375 = arith.constant 64 : i32
      %add3A_376 = vector.broadcast %add3A_375 : i32 to vector<16xi32>
      %add3A_377 = arith.addi %iota3A, %add3A_376 : vector<16xi32>
      tpu.vector_store_idx %arg4[%shift_right_arithmetic3A_374, %add3A_377], %broadcast_in_dim3A_1 : memref<250x256xi32, #tpu.memory_space<vmem>>[vector<16xi32>, vector<16xi32>], vector<16xi32>,
      %get3A_378 = arith.constant 80 : index
      %get3A_379 = tpu.vector_load %arg5[%get3A_378] {strides = array<i32>} : memref<256xi32, #tpu.memory_space<vmem>>, vector<16xi32>,
      %shift_right_arithmetic3A_380 = arith.constant 2 : i32
      %shift_right_arithmetic3A_381 = vector.broadcast %shift_right_arithmetic3A_380 : i32 to vector<16xi32>
      %shift_right_arithmetic3A_382 = arith.shrsi %get3A_379, %shift_right_arithmetic3A_381 : vector<16xi32>
      %add3A_383 = arith.constant 80 : i32
      %add3A_384 = vector.broadcast %add3A_383 : i32 to vector<16xi32>
      %add3A_385 = arith.addi %iota3A, %add3A_384 : vector<16xi32>
      tpu.vector_store_idx %arg4[%shift_right_arithmetic3A_382, %add3A_385], %broadcast_in_dim3A_1 : memref<250x256xi32, #tpu.memory_space<vmem>>[vector<16xi32>, vector<16xi32>], vector<16xi32>,
      %get3A_386 = arith.constant 96 : index
      %get3A_387 = tpu.vector_load %arg5[%get3A_386] {strides = array<i32>} : memref<256xi32, #tpu.memory_space<vmem>>, vector<16xi32>,
      %shift_right_arithmetic3A_388 = arith.constant 2 : i32
      %shift_right_arithmetic3A_389 = vector.broadcast %shift_right_arithmetic3A_388 : i32 to vector<16xi32>
      %shift_right_arithmetic3A_390 = arith.shrsi %get3A_387, %shift_right_arithmetic3A_389 : vector<16xi32>
      %add3A_391 = arith.constant 96 : i32
      %add3A_392 = vector.broadcast %add3A_391 : i32 to vector<16xi32>
      %add3A_393 = arith.addi %iota3A, %add3A_392 : vector<16xi32>
      tpu.vector_store_idx %arg4[%shift_right_arithmetic3A_390, %add3A_393], %broadcast_in_dim3A_1 : memref<250x256xi32, #tpu.memory_space<vmem>>[vector<16xi32>, vector<16xi32>], vector<16xi32>,
      %get3A_394 = arith.constant 112 : index
      %get3A_395 = tpu.vector_load %arg5[%get3A_394] {strides = array<i32>} : memref<256xi32, #tpu.memory_space<vmem>>, vector<16xi32>,
      %shift_right_arithmetic3A_396 = arith.constant 2 : i32
      %shift_right_arithmetic3A_397 = vector.broadcast %shift_right_arithmetic3A_396 : i32 to vector<16xi32>
      %shift_right_arithmetic3A_398 = arith.shrsi %get3A_395, %shift_right_arithmetic3A_397 : vector<16xi32>
      %add3A_399 = arith.constant 112 : i32
      %add3A_400 = vector.broadcast %add3A_399 : i32 to vector<16xi32>
      %add3A_401 = arith.addi %iota3A, %add3A_400 : vector<16xi32>
      tpu.vector_store_idx %arg4[%shift_right_arithmetic3A_398, %add3A_401], %broadcast_in_dim3A_1 : memref<250x256xi32, #tpu.memory_space<vmem>>[vector<16xi32>, vector<16xi32>], vector<16xi32>,
      %get3A_402 = arith.constant 128 : index
      %get3A_403 = tpu.vector_load %arg5[%get3A_402] {strides = array<i32>} : memref<256xi32, #tpu.memory_space<vmem>>, vector<16xi32>,
      %shift_right_arithmetic3A_404 = arith.constant 2 : i32
      %shift_right_arithmetic3A_405 = vector.broadcast %shift_right_arithmetic3A_404 : i32 to vector<16xi32>
      %shift_right_arithmetic3A_406 = arith.shrsi %get3A_403, %shift_right_arithmetic3A_405 : vector<16xi32>
      %add3A_407 = arith.constant 128 : i32
      %add3A_408 = vector.broadcast %add3A_407 : i32 to vector<16xi32>
      %add3A_409 = arith.addi %iota3A, %add3A_408 : vector<16xi32>
      tpu.vector_store_idx %arg4[%shift_right_arithmetic3A_406, %add3A_409], %broadcast_in_dim3A_1 : memref<250x256xi32, #tpu.memory_space<vmem>>[vector<16xi32>, vector<16xi32>], vector<16xi32>,
      %get3A_410 = arith.constant 144 : index
      %get3A_411 = tpu.vector_load %arg5[%get3A_410] {strides = array<i32>} : memref<256xi32, #tpu.memory_space<vmem>>, vector<16xi32>,
      %shift_right_arithmetic3A_412 = arith.constant 2 : i32
      %shift_right_arithmetic3A_413 = vector.broadcast %shift_right_arithmetic3A_412 : i32 to vector<16xi32>
      %shift_right_arithmetic3A_414 = arith.shrsi %get3A_411, %shift_right_arithmetic3A_413 : vector<16xi32>
      %add3A_415 = arith.constant 144 : i32
      %add3A_416 = vector.broadcast %add3A_415 : i32 to vector<16xi32>
      %add3A_417 = arith.addi %iota3A, %add3A_416 : vector<16xi32>
      tpu.vector_store_idx %arg4[%shift_right_arithmetic3A_414, %add3A_417], %broadcast_in_dim3A_1 : memref<250x256xi32, #tpu.memory_space<vmem>>[vector<16xi32>, vector<16xi32>], vector<16xi32>,
      %get3A_418 = arith.constant 160 : index
      %get3A_419 = tpu.vector_load %arg5[%get3A_418] {strides = array<i32>} : memref<256xi32, #tpu.memory_space<vmem>>, vector<16xi32>,
      %shift_right_arithmetic3A_420 = arith.constant 2 : i32
      %shift_right_arithmetic3A_421 = vector.broadcast %shift_right_arithmetic3A_420 : i32 to vector<16xi32>
      %shift_right_arithmetic3A_422 = arith.shrsi %get3A_419, %shift_right_arithmetic3A_421 : vector<16xi32>
      %add3A_423 = arith.constant 160 : i32
      %add3A_424 = vector.broadcast %add3A_423 : i32 to vector<16xi32>
      %add3A_425 = arith.addi %iota3A, %add3A_424 : vector<16xi32>
      tpu.vector_store_idx %arg4[%shift_right_arithmetic3A_422, %add3A_425], %broadcast_in_dim3A_1 : memref<250x256xi32, #tpu.memory_space<vmem>>[vector<16xi32>, vector<16xi32>], vector<16xi32>,
      %get3A_426 = arith.constant 176 : index
      %get3A_427 = tpu.vector_load %arg5[%get3A_426] {strides = array<i32>} : memref<256xi32, #tpu.memory_space<vmem>>, vector<16xi32>,
      %shift_right_arithmetic3A_428 = arith.constant 2 : i32
      %shift_right_arithmetic3A_429 = vector.broadcast %shift_right_arithmetic3A_428 : i32 to vector<16xi32>
      %shift_right_arithmetic3A_430 = arith.shrsi %get3A_427, %shift_right_arithmetic3A_429 : vector<16xi32>
      %add3A_431 = arith.constant 176 : i32
      %add3A_432 = vector.broadcast %add3A_431 : i32 to vector<16xi32>
      %add3A_433 = arith.addi %iota3A, %add3A_432 : vector<16xi32>
      tpu.vector_store_idx %arg4[%shift_right_arithmetic3A_430, %add3A_433], %broadcast_in_dim3A_1 : memref<250x256xi32, #tpu.memory_space<vmem>>[vector<16xi32>, vector<16xi32>], vector<16xi32>,
      %get3A_434 = arith.constant 192 : index
      %get3A_435 = tpu.vector_load %arg5[%get3A_434] {strides = array<i32>} : memref<256xi32, #tpu.memory_space<vmem>>, vector<16xi32>,
      %shift_right_arithmetic3A_436 = arith.constant 2 : i32
      %shift_right_arithmetic3A_437 = vector.broadcast %shift_right_arithmetic3A_436 : i32 to vector<16xi32>
      %shift_right_arithmetic3A_438 = arith.shrsi %get3A_435, %shift_right_arithmetic3A_437 : vector<16xi32>
      %add3A_439 = arith.constant 192 : i32
      %add3A_440 = vector.broadcast %add3A_439 : i32 to vector<16xi32>
      %add3A_441 = arith.addi %iota3A, %add3A_440 : vector<16xi32>
      tpu.vector_store_idx %arg4[%shift_right_arithmetic3A_438, %add3A_441], %broadcast_in_dim3A_1 : memref<250x256xi32, #tpu.memory_space<vmem>>[vector<16xi32>, vector<16xi32>], vector<16xi32>,
      %get3A_442 = arith.constant 208 : index
      %get3A_443 = tpu.vector_load %arg5[%get3A_442] {strides = array<i32>} : memref<256xi32, #tpu.memory_space<vmem>>, vector<16xi32>,
      %shift_right_arithmetic3A_444 = arith.constant 2 : i32
      %shift_right_arithmetic3A_445 = vector.broadcast %shift_right_arithmetic3A_444 : i32 to vector<16xi32>
      %shift_right_arithmetic3A_446 = arith.shrsi %get3A_443, %shift_right_arithmetic3A_445 : vector<16xi32>
      %add3A_447 = arith.constant 208 : i32
      %add3A_448 = vector.broadcast %add3A_447 : i32 to vector<16xi32>
      %add3A_449 = arith.addi %iota3A, %add3A_448 : vector<16xi32>
      tpu.vector_store_idx %arg4[%shift_right_arithmetic3A_446, %add3A_449], %broadcast_in_dim3A_1 : memref<250x256xi32, #tpu.memory_space<vmem>>[vector<16xi32>, vector<16xi32>], vector<16xi32>,
      %get3A_450 = arith.constant 224 : index
      %get3A_451 = tpu.vector_load %arg5[%get3A_450] {strides = array<i32>} : memref<256xi32, #tpu.memory_space<vmem>>, vector<16xi32>,
      %shift_right_arithmetic3A_452 = arith.constant 2 : i32
      %shift_right_arithmetic3A_453 = vector.broadcast %shift_right_arithmetic3A_452 : i32 to vector<16xi32>
      %shift_right_arithmetic3A_454 = arith.shrsi %get3A_451, %shift_right_arithmetic3A_453 : vector<16xi32>
      %add3A_455 = arith.constant 224 : i32
      %add3A_456 = vector.broadcast %add3A_455 : i32 to vector<16xi32>
      %add3A_457 = arith.addi %iota3A, %add3A_456 : vector<16xi32>
      tpu.vector_store_idx %arg4[%shift_right_arithmetic3A_454, %add3A_457], %broadcast_in_dim3A_1 : memref<250x256xi32, #tpu.memory_space<vmem>>[vector<16xi32>, vector<16xi32>], vector<16xi32>,
      %get3A_458 = arith.constant 240 : index
      %get3A_459 = tpu.vector_load %arg5[%get3A_458] {strides = array<i32>} : memref<256xi32, #tpu.memory_space<vmem>>, vector<16xi32>,
      %shift_right_arithmetic3A_460 = arith.constant 2 : i32
      %shift_right_arithmetic3A_461 = vector.broadcast %shift_right_arithmetic3A_460 : i32 to vector<16xi32>
      %shift_right_arithmetic3A_462 = arith.shrsi %get3A_459, %shift_right_arithmetic3A_461 : vector<16xi32>
      %add3A_463 = arith.constant 240 : i32
      %add3A_464 = vector.broadcast %add3A_463 : i32 to vector<16xi32>
      %add3A_465 = arith.addi %iota3A, %add3A_464 : vector<16xi32>
      tpu.vector_store_idx %arg4[%shift_right_arithmetic3A_462, %add3A_465], %broadcast_in_dim3A_1 : memref<250x256xi32, #tpu.memory_space<vmem>>[vector<16xi32>, vector<16xi32>], vector<16xi32>,
    }
    %scan3A_10 = arith.constant 52 : i32
    return
  }
}

</mosaic_0001>

<sc_bundles>
// kernel: kernel.3.cloned.1.call-start
scs
__scs_entry_jumppad:
0x0: {  	(pc) =	sbr.rel $0x88, $3  }
0x1: {  	(tag) =	ssettag $0x0;
	lr =	simm.s32 $0x1  }
0x2: {  	[smem:$0x3FA0] =	sst lr;
	_ =	strace $0xD0000000  }
0x3: {  	_ = 	snop  }
0x4: {  	_ = 	snop  }
0x5: {  	_ = 	snop  }
0x6: {  	_ = 	snop  }
0x7: {  	_ = 	snop  }
__scs_overlays_trampoline_lowered:
0x8: {  	[smem:$0x3FAF] =	sst s0  }
0x9: {  	[smem:$0x3FB0] =	sst s1  }
0xa: {  	[smem:$0x3FB1] =	sst s2  }
0xb: {  	[smem:$0x3FB2] =	sst s3  }
0xc: {  	[smem:$0x3FB3] =	sst s4  }
0xd: {  	[smem:$0x3FB4] =	sst s5  }
0xe: {  	[smem:$0x3FB5] =	sst s6  }
0xf: {  	[smem:$0x3FB6] =	sst s7  }
0x10: {  	[smem:$0x3FB7] =	sst s8  }
0x11: {  	[smem:$0x3FB8] =	sst s9;
	s0 =	simm.s32 @!p0 $0x0  }
0x12: {  	s1 =	sld [smem:$0x3F9E];
	s0 =	simm.s32 @p0 $0x1  }
0x13: {  	[smem:$0x3FB9] =	sst s0;
	s0 =	simm.s32 @!p1 $0x0  }
0x14: {  	s2 =	sld [smem:$0x3F9D];
	s0 =	simm.s32 @p1 $0x1  }
0x15: {  	[smem:$0x3FBA] =	sst s0;
	s0 =	simm.s32 @!p2 $0x0  }
0x16: {  	s3 =	sld [smem:$0x3FDB];
	s0 =	simm.s32 @p2 $0x1  }
0x17: {  	s4 =	simm.s32 $0x1BF5;
	[smem:$0x3FBC] =	sst s0  }
0x18: {  	s0 =	sld [smem:$0x3F9F];
	_ =	swait.ge [sflag:s4], $0x0  }
0x19: {  	s7 =	sld [smem:$0x3FA0]  }
0x1a: {  	s8 =	sadd.s32 $0xFFFFE003, lr  }
0x1b: {  	s9 =	sadd.s32 $0xFFFFFEF7, lr;
	s5 =	simm.s32 $0xFFFFFFFF;
	p2 =	slt.u32 s8, $0xFFFFF086  }
0x1c: {  	p1 =	slt.u32 s9, $0xF7A;
	s5 =	simm.s32 @!p2 $0x0  }
0x1d: {  	s5 =	simm.s32 @p1 $0x1;
	p0 =	seq.s32 s7, s2  }
0x1e: {  	s7 =	smul.u32 @!p0 $0xF7A, s2;
	p2 =	seq.s32 @!p0 s5, $0x0  }
0x1f: {  	s9 =	smul.u32 $0xF7A, s1;
	s8 =	simm.s32 @!p0 $0x1BF5;
	p2 =	por !p2, p0  }
0x20: {  	[sflag:s8] =	ssyncset.s32 @!p0 $0xFFFFF086;
	s6 =	sadd.s32 @!p0 s3, s7;
	s7 =	simm.s32 @!p0 $0x108  }
0x21: {  	s3 =	sadd.s32 s3, s9;
	s6 =	sadd.s32 @!p0 $0x88, s6;
	s7 =	simm.s32 @p2 $0x1082  }
0x22: {  	[simem:s7], [sflag:s8] =	dma.local @!p0 [hbm:s6], $0xF7A  }
0x23: {  	s9 =	sor.u32 $0xD0000000, s2;
	s6 =	simm.s32 $0x108;
	_ =	swait.ge @!p0 [sflag:s8], $0x0  }
0x24: {  	s3 =	sadd.s32 $0x88, s3;
	s6 =	simm.s32 @!p1 $0x1082;
	[sflag:s4] =	ssyncset.s32 $0xFFFFF086  }
0x25: {  	[simem:s6], [sflag:s4] =	dma.local [hbm:s3], $0xF7A  }
0x26: {  	[smem:$0x3FA0] =	sst s1;
	(tag) =	ssettag s2;
	_ =	strace s9  }
0x27: {  	s1 =	sld [smem:$0x3FB0]  }
0x28: {  	s2 =	sld [smem:$0x3FB1]  }
0x29: {  	s4 =	sld [smem:$0x3FB3]  }
0x2a: {  	p0 =	seq.s32 s5, $0x0;
	s5 =	sld [smem:$0x3FB4]  }
0x2b: {  	s6 =	sld [smem:$0x3FB5]  }
0x2c: {  	s7 =	sld [smem:$0x3FB6]  }
0x2d: {  	s3 =	simm.s32 $0x108;
	s8 =	sld [smem:$0x3FB7]  }
0x2e: {  	s3 =	simm.s32 @!p0 $0x1082;
	s9 =	sld [smem:$0x3FB8]  }
0x2f: {  	lr =	sadd.s32 s0, s3;
	s0 =	sld [smem:$0x3FAF]  }
0x30: {  	s3 =	sld [smem:$0x3FB2]  }
0x31: {  	[smem:$0x3FBB] =	sst s10  }
0x32: {  	s10 =	sld [smem:$0x3FB9];
	_ =	sdelay $0x3  }
0x33: {  	p0 =	seq.s32 s10, $0x1;
	s10 =	sld [smem:$0x3FBB];
	_ =	sdelay $0x3  }
0x34: {  	[smem:$0x3FBB] =	sst s10  }
0x35: {  	s10 =	sld [smem:$0x3FBA];
	_ =	sdelay $0x3  }
0x36: {  	p1 =	seq.s32 s10, $0x1;
	s10 =	sld [smem:$0x3FBB];
	_ =	sdelay $0x3  }
0x37: {  	[smem:$0x3FBB] =	sst s10  }
0x38: {  	s10 =	sld [smem:$0x3FBC]  }
0x39: {  	_ = 	snop;
	(pc) =	sbr.ind lr, $3  }
0x3a: {  	_ = 	snop  }
0x3b: {  	_ = 	snop  }
0x3c: {  	p2 =	seq.s32 s10, $0x1;
	s10 =	sld [smem:$0x3FBB]  }
0x3d: {  	_ =	shalt  }
0x3e: {  	_ =	shalt  }
0x3f: {  	_ =	shalt  }
0x40: {  	_ =	shalt  }
0x41: {  	_ =	shalt  }
0x42: {  	_ =	shalt  }
0x43: {  	_ =	shalt  }
0x44: {  	_ =	shalt  }
0x45: {  	_ =	shalt  }
0x46: {  	_ =	shalt  }
0x47: {  	_ =	shalt  }
0x48: {  	_ =	shalt  }
0x49: {  	_ =	shalt  }
0x4a: {  	_ =	shalt  }
0x4b: {  	_ =	shalt  }
0x4c: {  	_ =	shalt  }
0x4d: {  	_ =	shalt  }
0x4e: {  	_ =	shalt  }
0x4f: {  	_ =	shalt  }
0x50: {  	_ =	shalt  }
0x51: {  	_ =	shalt  }
0x52: {  	_ =	shalt  }
0x53: {  	_ =	shalt  }
0x54: {  	_ =	shalt  }
0x55: {  	_ =	shalt  }
0x56: {  	_ =	shalt  }
0x57: {  	_ =	shalt  }
0x58: {  	_ =	shalt  }
0x59: {  	_ =	shalt  }
0x5a: {  	_ =	shalt  }
0x5b: {  	_ =	shalt  }
0x5c: {  	_ =	shalt  }
0x5d: {  	_ =	shalt  }
0x5e: {  	_ =	shalt  }
0x5f: {  	_ =	shalt  }
0x60: {  	_ =	shalt  }
0x61: {  	_ =	shalt  }
0x62: {  	_ =	shalt  }
0x63: {  	_ =	shalt  }
0x64: {  	_ =	shalt  }
0x65: {  	_ =	shalt  }
0x66: {  	_ =	shalt  }
0x67: {  	_ =	shalt  }
0x68: {  	_ =	shalt  }
0x69: {  	_ =	shalt  }
0x6a: {  	_ =	shalt  }
0x6b: {  	_ =	shalt  }
0x6c: {  	_ =	shalt  }
0x6d: {  	_ =	shalt  }
0x6e: {  	_ =	shalt  }
0x6f: {  	_ =	shalt  }
0x70: {  	_ =	shalt  }
0x71: {  	_ =	shalt  }
0x72: {  	_ =	shalt  }
0x73: {  	_ =	shalt  }
0x74: {  	_ =	shalt  }
0x75: {  	_ =	shalt  }
0x76: {  	_ =	shalt  }
0x77: {  	_ =	shalt  }
0x78: {  	_ =	shalt  }
0x79: {  	_ =	shalt  }
0x7a: {  	_ =	shalt  }
0x7b: {  	_ =	shalt  }
0x7c: {  	_ =	shalt  }
0x7d: {  	_ =	shalt  }
0x7e: {  	_ =	shalt  }
0x7f: {  	_ =	shalt  }
0x80: {  	_ =	shalt  }
0x81: {  	_ =	shalt  }
0x82: {  	_ =	shalt  }
0x83: {  	_ =	shalt  }
0x84: {  	_ =	shalt  }
0x85: {  	_ =	shalt  }
0x86: {  	_ =	shalt  }
0x87: {  	_ =	shalt  }
.Lfunc_end0:
.L_simem_size_0:
called_computation_lowered:
.L_overlay_start_0:
0x88: {  	s2 =	sld [smem:$0x3FD9]  }
0x89: {  	s3 =	sld [smem:$0x3FFE];
	_ =	sdelay $0x1  }
0x8a: {  	s1 =	srdreg.scid  }
0x8b: {  	s0 =	sand.u32 $0x1, s1  }
0x8c: {  	s17 =	sshll.u32 s0, $0xA;
	s2 =	sadd.s32 s3, s2  }
0x8d: {  	s2 =	sadd.s32 s2, s17  }
0x8e: {  	[smem:$0x3FC7] =	sst s2  }
0x8f: {  	_ = 	snop  }
0x90: {  	s2 =	sld [smem:$0x3FC9];
	(tm) =	ssettm $0x1  }
0x91: {  	s18 =	sld [smem:$0x3FFB];
	_ =	sdelay $0x3  }
0x92: {  	_ =	strace s18  }
0x93: {  	s3 =	sld [smem:$0x3FFC];
	_ =	sdelay $0x3  }
0x94: {  	_ =	strace s3  }
0x95: {  	s3 =	sld [smem:$0x3FFD];
	_ =	sdelay $0x3  }
0x96: {  	_ =	strace s3  }
0x97: {  	_ =	strace $0x8FFFFFFF  }
0x98: {  	s19 =	sld [smem:$0x3FDB];
	_ =	sdelay $0x1  }
0x99: {  	s4 =	simm.s32 $_scs_section_size  }
0x9a: {  	s5 =	simm.s32 $_size__tile_overlayer_lowered;
	s6 =	simm.s32 $_tile_overlayer_lowered  }
0x9b: {  	s22 =	simm.s32 $0x1BFF;
	s21 =	sshll.u32 s6, $0x1;
	s3 =	sadd.s32 s4, s19  }
0x9c: {  	s7 =	simm.s32 $0x0;
	s20 =	sshll.u32 s5, $0x1;
	s5 =	sadd.s32 s21, s3  }
0x9d: {  	[timem:s7], [sflag:s22] =	dma.local [hbm:s5], s20  }
0x9e: {  	_ =	swait.ge [sflag:s22], s20  }
0x9f: {  	s4 =	ssub.s32 $0x0, s20;
	[sflag:s22] =	ssyncset.done $0x0  }
0xa0: {  	[sflag:s22] =	ssyncadd.s32 s4;
	_ =	sdelay $0x1  }
0xa1: {  	s23 =	simm.s32 $0x1B8B  }
0xa2: {  	_ =	swait.ge [sflag:s23], $0x1  }
0xa3: {  	[sflag:s23] =	ssyncset.done $0x0  }
0xa4: {  	s25 =	simm.s32 $0x1B8E;
	s24 =	sld [smem:$0x3FFE];
	[sflag:s23] =	ssyncadd.s32 $0xFFFFFFFF  }
0xa5: {  	s26 =	simm.s32 $execute0_lowered;
	[smem:$0x3FD2] =	sst s25  }
0xa6: {  	s5 =	sshll.u32 s26, $0x1;
	_ =	strace $0x80000046;
	[dreg:$0x1] =	wrdreg $0xFFFFFFFF  }
0xa7: {  	s28 =	simm.s32 $_size_execute0_lowered;
	s3 =	sadd.s32 s3, s5;
	[dreg:$0x0] =	wrdreg $0x0  }
0xa8: {  	s5 =	sshll.u32 s28, $0x1;
	[dreg:$0x2] =	wrdreg s3  }
0xa9: {  	[dreg:$0x3] =	wrdreg s5  }
0xaa: {  	[dreg:$0x4] =	wrdreg $0xC0  }
0xab: {  	_ =	task [dreg:s7], $0x5FFFF  }
0xac: {  	[dreg:$0x1] =	wrdreg $0xFFFFFFFF  }
0xad: {  	[dreg:$0x0] =	wrdreg $0x60  }
0xae: {  	[dreg:$0x2] =	wrdreg s2  }
0xaf: {  	[dreg:$0x3] =	wrdreg s24  }
0xb0: {  	[dreg:$0x4] =	wrdreg $0x9  }
0xb1: {  	_ =	task.clear_ibuf [dreg:s7], $0x5FFFF;
	_ =	strace $0x90000046  }
0xb2: {  	s29 =	simm.s32 $0x9;
	_ =	strace $0x80000048  }
0xb3: {  	_ =	swait.ge [sflag:s29], $0x1  }
0xb4: {  	[sflag:s29] =	ssyncadd.s32 $0xFFFFFFFF  }
0xb5: {  	_ =	strace $0x90000048  }
0xb6: {  	_ =	sfence  }
0xb7: {  	s30 =	sld [smem:$0x0];
	_ =	sdelay $0x2  }
0xb8: {  	s31 =	sshll.u32 s1, $0xD;
	s1 =	sshrl.u32 s1, $0x2  }
0xb9: {  	s3 =	sand.u32 $0x4000, s31;
	s1 =	sadd.s32 s1, s30  }
0xba: {  	s0 =	sor.u32 s3, s0;
	s1 =	sshll.u32 s1, $0x11  }
0xbb: {  	s0 =	sor.u32 s1, s0  }
0xbc: {  	s0 =	sadd.s32 $0x8F2B, s0  }
0xbd: {  	[sflag:s0] =	ssyncadd.remote.s32 $0x1  }
0xbe: {  	_ =	sfence.sel $0xFFFF  }
0xbf: {  	[dreg:$0x0] =	wrdreg $0xFFFFFFFF;
	(pc) =	sbr.abs _section_cstart, $3  }
0xc0: {  	[dreg:$0x1] =	wrdreg $0xFFFFFFFF  }
0xc1: {  	_ =	task.clear_ibuf [dreg:s7], $0x2FFFF;
	_ =	strace $0x9FFFFFFF  }
0xc2: {  	(tm) =	ssettm $0x7FFFFFFF  }
0xc3: {  	_ =	shalt  }
tec
execute0_lowered:
.L_overlay_start_1:
0x0: {  	(tag) =	ssettag $0x1  }
0x1: {  	s1 =	rddreg [dreg:$0x0]  }
0x2: {  	s3 =	rddreg [dreg:$0x1]  }
0x3: {  	s0 =	rddreg [dreg:$0x2]  }
0x4: {  	s2 =	simm.s32 $0x0;
	s4 =	srdreg.scid;
	s8 =	simm.s32 $0x400  }
0x5: {  	v0 =	vimm.s32 $0x0;
	v1 =	vimm.s32 $0x1;
	v2 =	vlaneseq.u32;
	s9 =	simm.s32 $0x10000;
	s10 =	simm.s32 $0x1;
	s11 =	simm.s32 $0x800  }
0x6: {  	s12 =	simm.s32 $0x20000;
	s13 =	simm.s32 $0x0;
	s5 =	sand.u32 $0x1, s4;
	v3 =	vor.u32 $0x10, v2;
	v4 =	vor.u32 $0x20, v2;
	v5 =	vor.u32 $0x30, v2  }
0x7: {  	[smem:$0x7FF] =	sst s2;
	s4 =	sadd.s32 $0x600, s3;
	v6 =	vor.u32 $0x40, v2;
	v7 =	vor.u32 $0x50, v2;
	v8 =	vor.u32 $0x60, v2;
	s6 =	ssub.s32 $0x2, s5  }
0x8: {  	s3 =	stileid.u32;
	v9 =	vor.u32 $0x70, v2;
	v10 =	vor.u32 $0x400, v2;
	v11 =	vor.u32 $0x410, v2;
	_ =	strace $0x80000047;
	s7 =	sshrl.u32 s6, $0x1  }
0x9: {  	v12 =	vor.u32 $0x420, v2;
	v13 =	vor.u32 $0x430, v2;
	v14 =	vor.u32 $0x440, v2;
	s31 =	sshll.u32 s3, $0xD;
	s5 =	sshll.u32 s5, $0xC;
	s6 =	ssub.s32 s6, s7  }
0xa: {  	v15 =	vor.u32 $0x450, v2;
	v16 =	vor.u32 $0x460, v2;
	v17 =	vor.u32 $0x470, v2;
	s5 =	sor.u32 s5, s31;
	s7 =	simm.s32 $0x80;
	s6 =	smax.u32 s6, $0x1  }
.LBB2_1:
0xb: {  	s14 =	sand.u32 $0xF800, s2;
	s15 =	sand.u32 $0x380, s2  }
0xc: {  	s14 =	sor.u32 s15, s14  }
0xd: {  	[tilespmem:s14+$0x470] =	vst v0  }
0xe: {  	[tilespmem:s14+$0x0] =	vst v0  }
0xf: {  	[tilespmem:s14+$0x10] =	vst v0  }
0x10: {  	[tilespmem:s14+$0x20] =	vst v0  }
0x11: {  	[tilespmem:s14+$0x30] =	vst v0  }
0x12: {  	[tilespmem:s14+$0x40] =	vst v0  }
0x13: {  	[tilespmem:s14+$0x50] =	vst v0  }
0x14: {  	[tilespmem:s14+$0x60] =	vst v0  }
0x15: {  	[tilespmem:s14+$0x70] =	vst v0  }
0x16: {  	[tilespmem:s14+$0x400] =	vst v0  }
0x17: {  	[tilespmem:s14+$0x410] =	vst v0  }
0x18: {  	[tilespmem:s14+$0x420] =	vst v0  }
0x19: {  	[tilespmem:s14+$0x430] =	vst v0  }
0x1a: {  	s16 =	simm.s32 $0x100;
	s15 =	simm.s32 $0x80;
	[tilespmem:s14+$0x440] =	vst v0  }
0x1b: {  	s17 =	sand.u32 $0xF800, s16;
	s16 =	simm.s32 $0x200;
	s18 =	sand.u32 $0x380, s15;
	[tilespmem:s14+$0x450] =	vst v0  }
.LBB2_2:
0x1c: {  	p0 =	sne.s32 s16, $0xF900;
	[tilespmem:s14+$0x460] =	vst v0;
	s14 =	sor.u32 s18, s17  }
0x1d: {  	[tilespmem:s14+$0x470] =	vst v0  }
0x1e: {  	[tilespmem:s14+$0x0] =	vst v0  }
0x1f: {  	[tilespmem:s14+$0x10] =	vst v0  }
0x20: {  	[tilespmem:s14+$0x20] =	vst v0  }
0x21: {  	[tilespmem:s14+$0x30] =	vst v0  }
0x22: {  	[tilespmem:s14+$0x40] =	vst v0  }
0x23: {  	[tilespmem:s14+$0x50] =	vst v0  }
0x24: {  	[tilespmem:s14+$0x60] =	vst v0  }
0x25: {  	[tilespmem:s14+$0x70] =	vst v0  }
0x26: {  	[tilespmem:s14+$0x400] =	vst v0  }
.Ltmp0:
0x27: {  	[tilespmem:s14+$0x410] =	vst v0;
	(pc) =	sbr.rel @p0 .LBB2_2-.Ltmp0, $4  }
0x28: {  	[tilespmem:s14+$0x420] =	vst v0  }
0x29: {  	[tilespmem:s14+$0x430] =	vst v0  }
0x2a: {  	s15 =	sadd.s32 $0x80, s15;
	[tilespmem:s14+$0x440] =	vst v0  }
0x2b: {  	s17 =	sand.u32 $0xF800, s16;
	s16 =	sadd.s32 $0x100, s16;
	s18 =	sand.u32 $0x380, s15;
	[tilespmem:s14+$0x450] =	vst v0  }
0x2c: {  	s15 =	sor.u32 s18, s17;
	[tilespmem:s14+$0x460] =	vst v0  }
0x2d: {  	[tilespmem:s15+$0x470] =	vst v0  }
0x2e: {  	[tilespmem:s15+$0x0] =	vst v0  }
0x2f: {  	[tilespmem:s15+$0x10] =	vst v0  }
0x30: {  	[tilespmem:s15+$0x20] =	vst v0  }
0x31: {  	[tilespmem:s15+$0x30] =	vst v0  }
0x32: {  	[tilespmem:s15+$0x40] =	vst v0  }
0x33: {  	[tilespmem:s15+$0x50] =	vst v0  }
0x34: {  	[tilespmem:s15+$0x60] =	vst v0  }
0x35: {  	[tilespmem:s15+$0x70] =	vst v0  }
0x36: {  	[tilespmem:s15+$0x400] =	vst v0  }
0x37: {  	[tilespmem:s15+$0x410] =	vst v0  }
0x38: {  	[tilespmem:s15+$0x420] =	vst v0  }
0x39: {  	[tilespmem:s15+$0x430] =	vst v0  }
0x3a: {  	[tilespmem:s15+$0x440] =	vst v0  }
0x3b: {  	[tilespmem:s15+$0x450] =	vst v0  }
0x3c: {  	s14 =	simm.s32 $0x0;
	[tilespmem:s15+$0x460] =	vst v0;
	s15 =	simm.s32 $0x0  }
.LBB2_4:
0x3d: {  	s16 =	sshll.u32 s15, $0x6;
	s17 =	sshll.u32 s15, $0xD  }
0x3e: {  	s30 =	sand.u32 $0x800, s14;
	s18 =	sand.u32 $0x380, s16;
	s17 =	sand.u32 $0x60000, s17  }
0x3f: {  	s16 =	sor.u32 s5, s30;
	s17 =	sor.u32 s18, s17  }
0x40: {  	s17 =	sor.u32 s16, s17  }
0x41: {  	s17 =	sshrl.u32 s17, $0x3  }
0x42: {  	s17 =	sadd.s32 s1, s17  }
0x43: {  	[tilespmem:s9], [sflag:$0x1] =	stream.strided.gather [hbm4b:s17+s7], $0x100, s8, s7, $0x38;
	[tilespmem:$0x10100] =	vst v63  }
0x44: {  	_ =	swait.ge [sflag:s10], $0x100  }
0x45: {  	[sflag:s10] =	ssyncset.done $0x0  }
0x46: {  	[sflag:s10] =	ssyncadd.s32 $0xFFFFFF00  }
0x47: {  	v18 =	vld [tilespmem:$0x10000];
	_ =	sdelay $0x4  }
0x48: {  	v19 =	vshra.s32 v18, $0x2  }
0x49: {  	v20 =	vshll.u32 v19, $0x8;
	v19 =	vshll.u32 v19, $0x7  }
0x4a: {  	v20 =	vand.u32 $0xFFFFF800, v20;
	v19 =	vand.u32 $0x380, v19  }
0x4b: {  	v19 =	vor.u32 v20, v19  }
0x4c: {  	v19 =	vor.u32 v2, v19;
	_ =	sdelay $0x1  }
0x4d: {  	v18 =	vshll.u32 v18, $0x3  }
0x4e: {  	v18 =	vand.u32 $0x18, v18  }
0x4f: {  	v18 =	vshll.u32 v1, v18  }
0x50: {  	[tilespmem:v19+s2+$0x0] =	vst.idx.msk $0xffff, v18  }
0x51: {  	v18 =	vld [tilespmem:$0x10010];
	_ =	sdelay $0x4  }
0x52: {  	v19 =	vshra.s32 v18, $0x2  }
0x53: {  	v49 =	vshll.u32 v19, $0x8;
	v19 =	vshll.u32 v19, $0x7  }
0x54: {  	v20 =	vand.u32 $0xFFFFF800, v49;
	v19 =	vand.u32 $0x380, v19  }
0x55: {  	v19 =	vor.u32 v20, v19  }
0x56: {  	v19 =	vor.u32 v3, v19;
	_ =	sdelay $0x1  }
0x57: {  	v18 =	vshll.u32 v18, $0x3  }
0x58: {  	v18 =	vand.u32 $0x18, v18  }
0x59: {  	v18 =	vshll.u32 v1, v18  }
0x5a: {  	[tilespmem:v19+s2+$0x0] =	vst.idx.msk $0xffff, v18  }
0x5b: {  	v18 =	vld [tilespmem:$0x10020];
	_ =	sdelay $0x4  }
0x5c: {  	v19 =	vshra.s32 v18, $0x2  }
0x5d: {  	v50 =	vshll.u32 v19, $0x8;
	v19 =	vshll.u32 v19, $0x7  }
0x5e: {  	v20 =	vand.u32 $0xFFFFF800, v50;
	v19 =	vand.u32 $0x380, v19  }
0x5f: {  	v19 =	vor.u32 v20, v19  }
0x60: {  	v19 =	vor.u32 v4, v19;
	_ =	sdelay $0x1  }
0x61: {  	v18 =	vshll.u32 v18, $0x3  }
0x62: {  	v18 =	vand.u32 $0x18, v18  }
0x63: {  	v18 =	vshll.u32 v1, v18  }
0x64: {  	[tilespmem:v19+s2+$0x0] =	vst.idx.msk $0xffff, v18  }
0x65: {  	v18 =	vld [tilespmem:$0x10030];
	_ =	sdelay $0x4  }
0x66: {  	v19 =	vshra.s32 v18, $0x2  }
0x67: {  	v51 =	vshll.u32 v19, $0x8;
	v19 =	vshll.u32 v19, $0x7  }
0x68: {  	v20 =	vand.u32 $0xFFFFF800, v51;
	v19 =	vand.u32 $0x380, v19  }
0x69: {  	v19 =	vor.u32 v20, v19  }
0x6a: {  	v19 =	vor.u32 v5, v19;
	_ =	sdelay $0x1  }
0x6b: {  	v18 =	vshll.u32 v18, $0x3  }
0x6c: {  	v18 =	vand.u32 $0x18, v18  }
0x6d: {  	v18 =	vshll.u32 v1, v18  }
0x6e: {  	[tilespmem:v19+s2+$0x0] =	vst.idx.msk $0xffff, v18  }
0x6f: {  	v18 =	vld [tilespmem:$0x10040];
	_ =	sdelay $0x4  }
0x70: {  	v19 =	vshra.s32 v18, $0x2  }
0x71: {  	v52 =	vshll.u32 v19, $0x8;
	v19 =	vshll.u32 v19, $0x7  }
0x72: {  	v20 =	vand.u32 $0xFFFFF800, v52;
	v19 =	vand.u32 $0x380, v19  }
0x73: {  	v19 =	vor.u32 v20, v19  }
0x74: {  	v19 =	vor.u32 v6, v19;
	_ =	sdelay $0x1  }
0x75: {  	v18 =	vshll.u32 v18, $0x3  }
0x76: {  	v18 =	vand.u32 $0x18, v18  }
0x77: {  	v18 =	vshll.u32 v1, v18  }
0x78: {  	[tilespmem:v19+s2+$0x0] =	vst.idx.msk $0xffff, v18  }
0x79: {  	v18 =	vld [tilespmem:$0x10050];
	_ =	sdelay $0x4  }
0x7a: {  	v19 =	vshra.s32 v18, $0x2  }
0x7b: {  	v53 =	vshll.u32 v19, $0x8;
	v19 =	vshll.u32 v19, $0x7  }
0x7c: {  	v20 =	vand.u32 $0xFFFFF800, v53;
	v19 =	vand.u32 $0x380, v19  }
0x7d: {  	v19 =	vor.u32 v20, v19  }
0x7e: {  	v19 =	vor.u32 v7, v19;
	_ =	sdelay $0x1  }
0x7f: {  	v18 =	vshll.u32 v18, $0x3  }
0x80: {  	v18 =	vand.u32 $0x18, v18  }
0x81: {  	v18 =	vshll.u32 v1, v18  }
0x82: {  	[tilespmem:v19+s2+$0x0] =	vst.idx.msk $0xffff, v18  }
0x83: {  	v18 =	vld [tilespmem:$0x10060];
	_ =	sdelay $0x4  }
0x84: {  	v19 =	vshra.s32 v18, $0x2  }
0x85: {  	v54 =	vshll.u32 v19, $0x8;
	v19 =	vshll.u32 v19, $0x7  }
0x86: {  	v20 =	vand.u32 $0xFFFFF800, v54;
	v19 =	vand.u32 $0x380, v19  }
0x87: {  	v19 =	vor.u32 v20, v19  }
0x88: {  	v19 =	vor.u32 v8, v19;
	_ =	sdelay $0x1  }
0x89: {  	v18 =	vshll.u32 v18, $0x3  }
0x8a: {  	v18 =	vand.u32 $0x18, v18  }
0x8b: {  	v18 =	vshll.u32 v1, v18  }
0x8c: {  	[tilespmem:v19+s2+$0x0] =	vst.idx.msk $0xffff, v18  }
0x8d: {  	v18 =	vld [tilespmem:$0x10070];
	_ =	sdelay $0x4  }
0x8e: {  	v19 =	vshra.s32 v18, $0x2  }
0x8f: {  	v55 =	vshll.u32 v19, $0x8;
	v19 =	vshll.u32 v19, $0x7  }
0x90: {  	v20 =	vand.u32 $0xFFFFF800, v55;
	v19 =	vand.u32 $0x380, v19  }
0x91: {  	v19 =	vor.u32 v20, v19  }
0x92: {  	v19 =	vor.u32 v9, v19;
	_ =	sdelay $0x1  }
0x93: {  	v18 =	vshll.u32 v18, $0x3  }
0x94: {  	v18 =	vand.u32 $0x18, v18  }
0x95: {  	v18 =	vshll.u32 v1, v18  }
0x96: {  	[tilespmem:v19+s2+$0x0] =	vst.idx.msk $0xffff, v18  }
0x97: {  	v18 =	vld [tilespmem:$0x10080];
	_ =	sdelay $0x4  }
0x98: {  	v19 =	vshra.s32 v18, $0x2  }
0x99: {  	v56 =	vshll.u32 v19, $0x8;
	v19 =	vshll.u32 v19, $0x7  }
0x9a: {  	v20 =	vand.u32 $0xFFFFF800, v56;
	v19 =	vand.u32 $0x380, v19  }
0x9b: {  	v19 =	vor.u32 v19, v20  }
0x9c: {  	v19 =	vor.u32 v10, v19;
	_ =	sdelay $0x1  }
0x9d: {  	v18 =	vshll.u32 v18, $0x3  }
0x9e: {  	v18 =	vand.u32 $0x18, v18  }
0x9f: {  	v18 =	vshll.u32 v1, v18  }
0xa0: {  	[tilespmem:v19+s2+$0x0] =	vst.idx.msk $0xffff, v18  }
0xa1: {  	v18 =	vld [tilespmem:$0x10090];
	_ =	sdelay $0x4  }
0xa2: {  	v19 =	vshra.s32 v18, $0x2  }
0xa3: {  	v57 =	vshll.u32 v19, $0x8;
	v19 =	vshll.u32 v19, $0x7  }
0xa4: {  	v20 =	vand.u32 $0xFFFFF800, v57;
	v19 =	vand.u32 $0x380, v19  }
0xa5: {  	v19 =	vor.u32 v19, v20  }
0xa6: {  	v19 =	vor.u32 v11, v19;
	_ =	sdelay $0x1  }
0xa7: {  	v18 =	vshll.u32 v18, $0x3  }
0xa8: {  	v18 =	vand.u32 $0x18, v18  }
0xa9: {  	v18 =	vshll.u32 v1, v18  }
0xaa: {  	[tilespmem:v19+s2+$0x0] =	vst.idx.msk $0xffff, v18  }
0xab: {  	v18 =	vld [tilespmem:$0x100A0];
	_ =	sdelay $0x4  }
0xac: {  	v19 =	vshra.s32 v18, $0x2  }
0xad: {  	v58 =	vshll.u32 v19, $0x8;
	v19 =	vshll.u32 v19, $0x7  }
0xae: {  	v20 =	vand.u32 $0xFFFFF800, v58;
	v19 =	vand.u32 $0x380, v19  }
0xaf: {  	v19 =	vor.u32 v19, v20  }
0xb0: {  	v19 =	vor.u32 v12, v19;
	_ =	sdelay $0x1  }
0xb1: {  	v18 =	vshll.u32 v18, $0x3  }
0xb2: {  	v18 =	vand.u32 $0x18, v18  }
0xb3: {  	v18 =	vshll.u32 v1, v18  }
0xb4: {  	[tilespmem:v19+s2+$0x0] =	vst.idx.msk $0xffff, v18  }
0xb5: {  	v18 =	vld [tilespmem:$0x100B0];
	_ =	sdelay $0x4  }
0xb6: {  	v19 =	vshra.s32 v18, $0x2  }
0xb7: {  	v59 =	vshll.u32 v19, $0x8;
	v19 =	vshll.u32 v19, $0x7  }
0xb8: {  	v20 =	vand.u32 $0xFFFFF800, v59;
	v19 =	vand.u32 $0x380, v19  }
0xb9: {  	v19 =	vor.u32 v19, v20  }
0xba: {  	v19 =	vor.u32 v13, v19;
	_ =	sdelay $0x1  }
0xbb: {  	v18 =	vshll.u32 v18, $0x3  }
0xbc: {  	v18 =	vand.u32 $0x18, v18  }
0xbd: {  	v18 =	vshll.u32 v1, v18  }
0xbe: {  	[tilespmem:v19+s2+$0x0] =	vst.idx.msk $0xffff, v18  }
0xbf: {  	v18 =	vld [tilespmem:$0x100C0];
	_ =	sdelay $0x4  }
0xc0: {  	v19 =	vshra.s32 v18, $0x2  }
0xc1: {  	v60 =	vshll.u32 v19, $0x8;
	v19 =	vshll.u32 v19, $0x7  }
0xc2: {  	v20 =	vand.u32 $0xFFFFF800, v60;
	v19 =	vand.u32 $0x380, v19  }
0xc3: {  	v19 =	vor.u32 v19, v20  }
0xc4: {  	v19 =	vor.u32 v14, v19;
	_ =	sdelay $0x1  }
0xc5: {  	v18 =	vshll.u32 v18, $0x3  }
0xc6: {  	v18 =	vand.u32 $0x18, v18  }
0xc7: {  	v18 =	vshll.u32 v1, v18  }
0xc8: {  	[tilespmem:v19+s2+$0x0] =	vst.idx.msk $0xffff, v18  }
0xc9: {  	v18 =	vld [tilespmem:$0x100D0];
	_ =	sdelay $0x4  }
0xca: {  	v19 =	vshra.s32 v18, $0x2  }
0xcb: {  	v61 =	vshll.u32 v19, $0x8;
	v19 =	vshll.u32 v19, $0x7  }
0xcc: {  	v20 =	vand.u32 $0xFFFFF800, v61;
	v19 =	vand.u32 $0x380, v19  }
0xcd: {  	v19 =	vor.u32 v19, v20  }
0xce: {  	v19 =	vor.u32 v15, v19;
	_ =	sdelay $0x1  }
0xcf: {  	v18 =	vshll.u32 v18, $0x3  }
0xd0: {  	v18 =	vand.u32 $0x18, v18  }
0xd1: {  	v18 =	vshll.u32 v1, v18  }
0xd2: {  	[tilespmem:v19+s2+$0x0] =	vst.idx.msk $0xffff, v18  }
0xd3: {  	v18 =	vld [tilespmem:$0x100E0];
	_ =	sdelay $0x4  }
0xd4: {  	v19 =	vshra.s32 v18, $0x2  }
0xd5: {  	v62 =	vshll.u32 v19, $0x8;
	v19 =	vshll.u32 v19, $0x7  }
0xd6: {  	v20 =	vand.u32 $0xFFFFF800, v62;
	v19 =	vand.u32 $0x380, v19  }
0xd7: {  	v19 =	vor.u32 v19, v20  }
0xd8: {  	v19 =	vor.u32 v16, v19;
	_ =	sdelay $0x1  }
0xd9: {  	v18 =	vshll.u32 v18, $0x3  }
0xda: {  	v18 =	vand.u32 $0x18, v18  }
0xdb: {  	v18 =	vshll.u32 v1, v18  }
0xdc: {  	[tilespmem:v19+s2+$0x0] =	vst.idx.msk $0xffff, v18  }
0xdd: {  	v18 =	vld [tilespmem:$0x100F0];
	_ =	sdelay $0x4  }
0xde: {  	v19 =	vshra.s32 v18, $0x2  }
0xdf: {  	v63 =	vshll.u32 v19, $0x8;
	v19 =	vshll.u32 v19, $0x7  }
0xe0: {  	v20 =	vand.u32 $0xFFFFF800, v63;
	v19 =	vand.u32 $0x380, v19  }
0xe1: {  	v19 =	vor.u32 v19, v20  }
0xe2: {  	v19 =	vor.u32 v17, v19  }
0xe3: {  	s31 =	sshll.u32 s15, $0x15  }
0xe4: {  	s17 =	sand.u32 $0xFFC00000, s31;
	v18 =	vshll.u32 v18, $0x3  }
0xe5: {  	s16 =	sor.u32 s17, s16;
	v18 =	vand.u32 $0x18, v18  }
0xe6: {  	s16 =	sshrl.u32 s16, $0x3;
	v18 =	vshll.u32 v1, v18  }
0xe7: {  	s16 =	sadd.s32 s4, s16;
	[tilespmem:v19+s2+$0x0] =	vst.idx.msk $0xffff, v18  }
0xe8: {  	[hbm4b:s16+s11] =	stream.strided.scatter [tilespmem:s2], [sflag:$0x1], $0x10000, s12, s11, $0x38;
	[tilespmem:$0x10100] =	vst v63  }
0xe9: {  	_ =	swait.ge [sflag:s10], $0x10000  }
0xea: {  	[sflag:s10] =	ssyncset.done $0x0  }
0xeb: {  	[sflag:s10] =	ssyncadd.s32 $0xFFFF0000  }
0xec: {  	v18 =	vld [tilespmem:$0x10000];
	_ =	sdelay $0x4  }
0xed: {  	v18 =	vshra.s32 v18, $0x2  }
0xee: {  	v19 =	vshll.u32 v18, $0x8;
	v18 =	vshll.u32 v18, $0x7  }
0xef: {  	v19 =	vand.u32 $0xFFFFF800, v19;
	v18 =	vand.u32 $0x380, v18  }
0xf0: {  	v18 =	vor.u32 v19, v18  }
0xf1: {  	v18 =	vor.u32 v2, v18;
	_ =	sdelay $0x4  }
0xf2: {  	[tilespmem:v18+s2+$0x0] =	vst.idx.msk $0xffff, v0  }
0xf3: {  	v18 =	vld [tilespmem:$0x10010];
	_ =	sdelay $0x4  }
0xf4: {  	v18 =	vshra.s32 v18, $0x2  }
0xf5: {  	v19 =	vshll.u32 v18, $0x8;
	v18 =	vshll.u32 v18, $0x7  }
0xf6: {  	v19 =	vand.u32 $0xFFFFF800, v19;
	v18 =	vand.u32 $0x380, v18  }
0xf7: {  	v18 =	vor.u32 v19, v18  }
0xf8: {  	v18 =	vor.u32 v3, v18;
	_ =	sdelay $0x4  }
0xf9: {  	[tilespmem:v18+s2+$0x0] =	vst.idx.msk $0xffff, v0  }
0xfa: {  	v18 =	vld [tilespmem:$0x10020];
	_ =	sdelay $0x4  }
0xfb: {  	v18 =	vshra.s32 v18, $0x2  }
0xfc: {  	v19 =	vshll.u32 v18, $0x8;
	v18 =	vshll.u32 v18, $0x7  }
0xfd: {  	v19 =	vand.u32 $0xFFFFF800, v19;
	v18 =	vand.u32 $0x380, v18  }
0xfe: {  	v18 =	vor.u32 v19, v18  }
0xff: {  	v18 =	vor.u32 v4, v18;
	_ =	sdelay $0x4  }
0x100: {  	[tilespmem:v18+s2+$0x0] =	vst.idx.msk $0xffff, v0  }
0x101: {  	v18 =	vld [tilespmem:$0x10030];
	_ =	sdelay $0x4  }
0x102: {  	v18 =	vshra.s32 v18, $0x2  }
0x103: {  	v19 =	vshll.u32 v18, $0x8;
	v18 =	vshll.u32 v18, $0x7  }
0x104: {  	v19 =	vand.u32 $0xFFFFF800, v19;
	v18 =	vand.u32 $0x380, v18  }
0x105: {  	v18 =	vor.u32 v19, v18  }
0x106: {  	v18 =	vor.u32 v5, v18;
	_ =	sdelay $0x4  }
0x107: {  	[tilespmem:v18+s2+$0x0] =	vst.idx.msk $0xffff, v0  }
0x108: {  	v18 =	vld [tilespmem:$0x10040];
	_ =	sdelay $0x4  }
0x109: {  	v18 =	vshra.s32 v18, $0x2  }
0x10a: {  	v19 =	vshll.u32 v18, $0x8;
	v18 =	vshll.u32 v18, $0x7  }
0x10b: {  	v19 =	vand.u32 $0xFFFFF800, v19;
	v18 =	vand.u32 $0x380, v18  }
0x10c: {  	v18 =	vor.u32 v19, v18  }
0x10d: {  	v18 =	vor.u32 v6, v18;
	_ =	sdelay $0x4  }
0x10e: {  	[tilespmem:v18+s2+$0x0] =	vst.idx.msk $0xffff, v0  }
0x10f: {  	v18 =	vld [tilespmem:$0x10050];
	_ =	sdelay $0x4  }
0x110: {  	v18 =	vshra.s32 v18, $0x2  }
0x111: {  	v19 =	vshll.u32 v18, $0x8;
	v18 =	vshll.u32 v18, $0x7  }
0x112: {  	v19 =	vand.u32 $0xFFFFF800, v19;
	v18 =	vand.u32 $0x380, v18  }
0x113: {  	v18 =	vor.u32 v19, v18  }
0x114: {  	v18 =	vor.u32 v7, v18;
	_ =	sdelay $0x4  }
0x115: {  	[tilespmem:v18+s2+$0x0] =	vst.idx.msk $0xffff, v0  }
0x116: {  	v18 =	vld [tilespmem:$0x10060];
	_ =	sdelay $0x4  }
0x117: {  	v18 =	vshra.s32 v18, $0x2  }
0x118: {  	v19 =	vshll.u32 v18, $0x8;
	v18 =	vshll.u32 v18, $0x7  }
0x119: {  	v19 =	vand.u32 $0xFFFFF800, v19;
	v18 =	vand.u32 $0x380, v18  }
0x11a: {  	v18 =	vor.u32 v19, v18  }
0x11b: {  	v18 =	vor.u32 v8, v18;
	_ =	sdelay $0x4  }
0x11c: {  	[tilespmem:v18+s2+$0x0] =	vst.idx.msk $0xffff, v0  }
0x11d: {  	v18 =	vld [tilespmem:$0x10070];
	_ =	sdelay $0x4  }
0x11e: {  	v18 =	vshra.s32 v18, $0x2  }
0x11f: {  	v19 =	vshll.u32 v18, $0x8;
	v18 =	vshll.u32 v18, $0x7  }
0x120: {  	v19 =	vand.u32 $0xFFFFF800, v19;
	v18 =	vand.u32 $0x380, v18  }
0x121: {  	v18 =	vor.u32 v19, v18  }
0x122: {  	v18 =	vor.u32 v9, v18;
	_ =	sdelay $0x4  }
0x123: {  	[tilespmem:v18+s2+$0x0] =	vst.idx.msk $0xffff, v0  }
0x124: {  	v18 =	vld [tilespmem:$0x10080];
	_ =	sdelay $0x4  }
0x125: {  	v18 =	vshra.s32 v18, $0x2  }
0x126: {  	v19 =	vshll.u32 v18, $0x8;
	v18 =	vshll.u32 v18, $0x7  }
0x127: {  	v19 =	vand.u32 $0xFFFFF800, v19;
	v18 =	vand.u32 $0x380, v18  }
0x128: {  	v18 =	vor.u32 v18, v19  }
0x129: {  	v18 =	vor.u32 v10, v18;
	_ =	sdelay $0x4  }
0x12a: {  	[tilespmem:v18+s2+$0x0] =	vst.idx.msk $0xffff, v0  }
0x12b: {  	v18 =	vld [tilespmem:$0x10090];
	_ =	sdelay $0x4  }
0x12c: {  	v18 =	vshra.s32 v18, $0x2  }
0x12d: {  	v19 =	vshll.u32 v18, $0x8;
	v18 =	vshll.u32 v18, $0x7  }
0x12e: {  	v19 =	vand.u32 $0xFFFFF800, v19;
	v18 =	vand.u32 $0x380, v18  }
0x12f: {  	v18 =	vor.u32 v18, v19  }
0x130: {  	v18 =	vor.u32 v11, v18;
	_ =	sdelay $0x4  }
0x131: {  	[tilespmem:v18+s2+$0x0] =	vst.idx.msk $0xffff, v0  }
0x132: {  	v18 =	vld [tilespmem:$0x100A0];
	_ =	sdelay $0x4  }
0x133: {  	v18 =	vshra.s32 v18, $0x2  }
0x134: {  	v19 =	vshll.u32 v18, $0x8;
	v18 =	vshll.u32 v18, $0x7  }
0x135: {  	v19 =	vand.u32 $0xFFFFF800, v19;
	v18 =	vand.u32 $0x380, v18  }
0x136: {  	v18 =	vor.u32 v18, v19  }
0x137: {  	v18 =	vor.u32 v12, v18;
	_ =	sdelay $0x4  }
0x138: {  	[tilespmem:v18+s2+$0x0] =	vst.idx.msk $0xffff, v0  }
0x139: {  	v18 =	vld [tilespmem:$0x100B0];
	_ =	sdelay $0x4  }
0x13a: {  	v18 =	vshra.s32 v18, $0x2  }
0x13b: {  	v19 =	vshll.u32 v18, $0x8;
	v18 =	vshll.u32 v18, $0x7  }
0x13c: {  	v19 =	vand.u32 $0xFFFFF800, v19;
	v18 =	vand.u32 $0x380, v18  }
0x13d: {  	v18 =	vor.u32 v18, v19  }
0x13e: {  	v18 =	vor.u32 v13, v18;
	_ =	sdelay $0x4  }
0x13f: {  	[tilespmem:v18+s2+$0x0] =	vst.idx.msk $0xffff, v0  }
0x140: {  	v18 =	vld [tilespmem:$0x100C0];
	_ =	sdelay $0x4  }
0x141: {  	v18 =	vshra.s32 v18, $0x2  }
0x142: {  	v19 =	vshll.u32 v18, $0x8;
	v18 =	vshll.u32 v18, $0x7  }
0x143: {  	v19 =	vand.u32 $0xFFFFF800, v19;
	v18 =	vand.u32 $0x380, v18  }
0x144: {  	v18 =	vor.u32 v18, v19  }
0x145: {  	v18 =	vor.u32 v14, v18;
	_ =	sdelay $0x4  }
0x146: {  	[tilespmem:v18+s2+$0x0] =	vst.idx.msk $0xffff, v0  }
0x147: {  	v18 =	vld [tilespmem:$0x100D0];
	_ =	sdelay $0x4  }
0x148: {  	v18 =	vshra.s32 v18, $0x2  }
0x149: {  	v19 =	vshll.u32 v18, $0x8;
	v18 =	vshll.u32 v18, $0x7  }
0x14a: {  	v19 =	vand.u32 $0xFFFFF800, v19;
	v18 =	vand.u32 $0x380, v18  }
0x14b: {  	v18 =	vor.u32 v18, v19  }
0x14c: {  	v18 =	vor.u32 v15, v18;
	_ =	sdelay $0x4  }
0x14d: {  	[tilespmem:v18+s2+$0x0] =	vst.idx.msk $0xffff, v0  }
0x14e: {  	v18 =	vld [tilespmem:$0x100E0];
	_ =	sdelay $0x4  }
0x14f: {  	v18 =	vshra.s32 v18, $0x2  }
0x150: {  	v19 =	vshll.u32 v18, $0x8;
	v18 =	vshll.u32 v18, $0x7  }
0x151: {  	v19 =	vand.u32 $0xFFFFF800, v19;
	v18 =	vand.u32 $0x380, v18  }
0x152: {  	v18 =	vor.u32 v18, v19  }
0x153: {  	v18 =	vor.u32 v16, v18;
	_ =	sdelay $0x4  }
0x154: {  	[tilespmem:v18+s2+$0x0] =	vst.idx.msk $0xffff, v0  }
0x155: {  	v18 =	vld [tilespmem:$0x100F0];
	_ =	sdelay $0x4  }
0x156: {  	v18 =	vshra.s32 v18, $0x2  }
0x157: {  	v19 =	vshll.u32 v18, $0x8;
	v18 =	vshll.u32 v18, $0x7  }
0x158: {  	v19 =	vand.u32 $0xFFFFF800, v19;
	v18 =	vand.u32 $0x380, v18  }
0x159: {  	v18 =	vor.u32 v18, v19  }
0x15a: {  	p0 =	sne.s32 s15, $0x33;
	v18 =	vor.u32 v17, v18  }
.Ltmp1:
0x15b: {  	_ = 	snop;
	(pc) =	sbr.rel @p0 .LBB2_4-.Ltmp1, $2  }
0x15c: {  	_ =	sdelay $0x2  }
0x15d: {  	s14 =	sadd.s32 $0x800, s14;
	s15 =	sadd.s32 $0x1, s15;
	[tilespmem:v18+s2+$0x0] =	vst.idx.msk $0xffff, v0  }
0x15e: {  	s13 =	sadd.s32 $0x1, s13  }
0x15f: {  	p0 =	sne.s32 s13, s6  }
.Ltmp2:
0x160: {  	_ = 	snop;
	(pc) =	sbr.rel @p0 .LBB2_1-.Ltmp2, $1  }
0x161: {  	_ =	sdelay $0x3  }
0x162: {  	_ =	sfence.sel $0x180000  }
0x163: {  	[bflag:$0x0] =	sbarrier.arrive $0xFFFF  }
0x164: {  	p0 =	sne.s32 s3, $0x0;
	_ =	strace $0x90000047  }
0x165: {  	s0 =	sadd.s32 @!p0 $0x100000, s0;
	[bflag:$0x2] =	sbarrier.arrive $0xFFFF  }
0x166: {  	[sflag:s0] =	ssyncadd.tile.s32 @!p0 $0x1;
	_ =	shalt  }
.Lfunc_end2:
_tile_overlayer_lowered:
.L_overlay_start_2:
0x167: {  	(tag) =	ssettag $0x2  }
0x168: {  	s0 =	rddreg [dreg:$0x0];
	s2 =	stileid.u32  }
0x169: {  	s1 =	rddreg [dreg:$0x1];
	p0 =	sne.s32 s2, $0x0  }
0x16a: {  	s3 =	rddreg [dreg:$0x2];
	[bflag:$0x3] =	sbarrier.arrive $0xFFFF;
	s2 =	simm.s32 @!p0 $0x1C02  }
0x16b: {  	[timem:s3], [sflag:s2] =	dma.local @!p0 [hbm:s0], s1  }
0x16c: {  	s0 =	simm.s32 @!p0 $0x2  }
0x16d: {  	_ =	swait.ge @!p0 [sflag:s0], s1  }
0x16e: {  	s1 =	ssub.s32 @!p0 $0x0, s1;
	[sflag:s0] =	ssyncset.done @!p0 $0x0  }
0x16f: {  	[sflag:s0] =	ssyncadd.s32 @!p0 s1  }
0x170: {  	[bflag:$0x3] =	sbarrier.arrive $0xFFFF  }
0x171: {  	_ =	shalt  }

</sc_bundles>
